<compile_context>
chip_gen: v7x
topology: tpu7x:2x2x1
jax: 0.10.2.dev20260603
libtpu: 0.0.44.dev20260713+nightly
codegen_flags: <defaults>
</compile_context>

<pallas_src>
import functools

import jax
import jax.numpy as jnp
from jax import lax
from jax.experimental import pallas as pl
from jax.experimental.pallas import tpu as pltpu
from jax.experimental.pallas import tpu_sc as plsc

N = 4096
C = 128
K = 32
G = 64
WIN = 5
NW = 2 * WIN + 1
NWP = 16
NCAND = NW * NWP
NKNOTS = 32

NBLK_A = 128
EBLK = 2048
NBLK_C = EBLK // K

SC_NC = 2
SC_NS = 16
SC_NWORK = SC_NC * SC_NS
SC_CH = 128


def _sel_kernel(dy2_ref, dx2_ref, idx_ref, r_ref):
    pid = pl.program_id(0)
    row = lax.broadcasted_iota(jnp.int32, (NBLK_A, NWP), 0) + pid * NBLK_A
    lane = lax.broadcasted_iota(jnp.int32, (NBLK_A, NWP), 1)
    dx2 = dx2_ref[...]
    dpieces = []
    jpieces = []
    for dyi in range(NW):
        dpieces.append(jnp.sqrt(dy2_ref[:, dyi:dyi + 1] + dx2))
        jpieces.append(row + ((dyi - WIN) * G - WIN) + lane)
    dist = jnp.concatenate(dpieces, axis=1)
    jmat = jnp.concatenate(jpieces, axis=1)
    big = jnp.int32(2 ** 30)
    for s in range(K):
        m = jnp.min(dist, axis=1, keepdims=True)
        jm = jnp.min(jnp.where(dist == m, jmat, big), axis=1, keepdims=True)
        idx_ref[:, s:s + 1] = jm
        r_ref[:, s:s + 1] = m
        dist = jnp.where(jmat == jm, jnp.inf, dist)


def _edge_kernel(idx_ref, r_ref, pw1_ref, pb1_ref, pw2_ref, pb2_ref,
                 hw1_ref, hb1_ref, hw2_ref, hb2_ref, sm_ref, sms_ref,
                 phi_ref, psi_ref, pacc_ref, phacc_ref):
    pid = pl.program_id(0)
    step = jnp.float32(1.0 / (G - 1))
    e = lax.broadcasted_iota(jnp.int32, (EBLK, 1), 0) + pid * EBLK
    n = e // K
    iy = (n // G).astype(jnp.float32) * step
    ix = (n % G).astype(jnp.float32) * step
    j = idx_ref[...]
    jy = (j // G).astype(jnp.float32) * step
    jx = (j % G).astype(jnp.float32) * step

    hid = jax.nn.relu(iy * pw1_ref[0:1, :] + ix * pw1_ref[1:2, :]
                      + jy * pw1_ref[2:3, :] + jx * pw1_ref[3:4, :]
                      + pb1_ref[...])
    phi = lax.dot_general(hid, pw2_ref[...], (((1,), (0,)), ((), ())),
                          preferred_element_type=jnp.float32) + pb2_ref[...]
    phi_ref[...] = phi

    hidh = jax.nn.relu(iy * hw1_ref[0:1, :] + ix * hw1_ref[1:2, :]
                       + hb1_ref[...])
    hsum = jnp.sum(hidh * hw2_ref[...], axis=1, keepdims=True) + hb2_ref[0, 0]
    h = jnp.maximum(hsum, 0.0) + jnp.log1p(jnp.exp(-jnp.abs(hsum)))

    rsc = jnp.clip(r_ref[...] / (h + 1e-6), 0.0, 1.0)
    kstep = jnp.float32(1.0 / (NKNOTS - 1))
    binf = jnp.clip(jnp.floor(rsc * (NKNOTS - 1)), 0.0, jnp.float32(NKNOTS - 2))
    bini = binf.astype(jnp.int32)
    lane32 = lax.broadcasted_iota(jnp.int32, (EBLK, NKNOTS), 1)
    onehot = (bini == lane32).astype(jnp.float32)
    w_k = jnp.sum(onehot * sm_ref[...], axis=1, keepdims=True)
    w_k1 = jnp.sum(onehot * sms_ref[...], axis=1, keepdims=True)
    t_k = binf * kstep
    t_k1 = (binf + 1.0) * kstep
    wr = (rsc - t_k) / (t_k1 - t_k + 1e-8)
    psi = (1.0 - wr) * w_k + wr * w_k1
    psi_ref[...] = psi

    @pl.when(pid == 0)
    def _():
        pacc_ref[...] = jnp.zeros_like(pacc_ref)
        phacc_ref[...] = jnp.zeros_like(phacc_ref)

    pacc_ref[...] += jnp.sum(jnp.abs(psi))
    phacc_ref[...] += jnp.sum(jnp.abs(phi), axis=0, keepdims=True)


def _agg_kernel(u0_ref, u1_ref, phi_ref, psi_ref, pacc_ref, phacc_ref,
                x_ref, w1_ref, b1_ref, w2_ref, b2_ref, out_ref):
    nedge = jnp.float32(N * K)
    psi_scale = 1.0 / (pacc_ref[0, 0] / nedge + 1e-6)
    phi_scale = 1.0 / (phacc_ref[...] / nedge + 1e-6)
    w_edge = (psi_ref[...] * psi_scale) * (phi_ref[...] * phi_scale)
    a0 = jnp.sum((w_edge * u0_ref[...]).reshape(NBLK_C, K, C), axis=1)
    a1 = jnp.sum((w_edge * u1_ref[...]).reshape(NBLK_C, K, C), axis=1)
    inv_k = jnp.float32(1.0 / K)

    xb = x_ref[...].reshape(2 * NBLK_C, C)
    hid = jax.nn.relu(
        lax.dot_general(xb, w1_ref[...], (((1,), (0,)), ((), ())),
                        preferred_element_type=jnp.float32) + b1_ref[...])
    pw = lax.dot_general(hid, w2_ref[...], (((1,), (0,)), ((), ())),
                         preferred_element_type=jnp.float32) + b2_ref[...]
    out_ref[0] = a0 * inv_k + pw[:NBLK_C]
    out_ref[1] = a1 * inv_k + pw[NBLK_C:]


def _sc_gather(xflat, idxcat):
    nrows = idxcat.shape[0]
    per_w = nrows // SC_NWORK
    nchunk = per_w // SC_CH
    mesh = plsc.VectorSubcoreMesh(core_axis_name="c", subcore_axis_name="s")

    @functools.partial(
        pl.kernel, mesh=mesh,
        out_type=jax.ShapeDtypeStruct((nrows, C), jnp.float32),
        scratch_types=[
            pltpu.VMEM((SC_CH,), jnp.int32),
            pltpu.VMEM((SC_CH, C), jnp.float32),
            pltpu.SemaphoreType.DMA,
        ],
    )
    def gather_k(x_hbm, idx_hbm, u_hbm, idx_v, rows_v, sem):
        wid = lax.axis_index("s") * SC_NC + lax.axis_index("c")
        base = wid * per_w

        def body(ci, carry):
            cb = base + ci * SC_CH
            pltpu.sync_copy(idx_hbm.at[pl.ds(cb, SC_CH)], idx_v)
            pltpu.async_copy(x_hbm.at[idx_v], rows_v, sem).wait()
            pltpu.sync_copy(rows_v, u_hbm.at[pl.ds(cb, SC_CH)])
            return carry

        lax.fori_loop(0, nchunk, body, 0)

    return gather_k(xflat, idxcat)


def _neighbor_tables():
    cy = jnp.linspace(0.0, 1.0, G).astype(jnp.float32)
    offs = jnp.arange(NW) - WIN
    a = jnp.arange(G)
    nb = a[:, None] + offs[None, :]
    valid = (nb >= 0) & (nb < G)
    d = cy[:, None] - cy[jnp.clip(nb, 0, G - 1)]
    d2 = jnp.where(valid, d * d, jnp.inf)
    d2 = jnp.concatenate(
        [d2, jnp.full((G, NWP - NW), jnp.inf, jnp.float32)], axis=1)
    nodes = jnp.arange(N)
    return d2[nodes // G], d2[nodes % G]


def kernel(x, W1, b1, W2, b2, pw1, pb1, pw2, pb2, hw1, hb1, hw2, hb2, S_m):
    dy2, dx2 = _neighbor_tables()

    idx, r = pl.pallas_call(
        _sel_kernel,
        grid=(N // NBLK_A,),
        in_specs=[
            pl.BlockSpec((NBLK_A, NWP), lambda i: (i, 0)),
            pl.BlockSpec((NBLK_A, NWP), lambda i: (i, 0)),
        ],
        out_specs=[
            pl.BlockSpec((NBLK_A, K), lambda i: (i, 0)),
            pl.BlockSpec((NBLK_A, K), lambda i: (i, 0)),
        ],
        out_shape=[
            jax.ShapeDtypeStruct((N, K), jnp.int32),
            jax.ShapeDtypeStruct((N, K), jnp.float32),
        ],
    )(dy2, dx2)

    idx_flat = idx.reshape(N * K, 1)
    r_flat = r.reshape(N * K, 1)

    full = lambda shape: pl.BlockSpec(shape, lambda i: tuple(0 for _ in shape))
    phi, psi, pacc, phacc = pl.pallas_call(
        _edge_kernel,
        grid=(N * K // EBLK,),
        in_specs=[
            pl.BlockSpec((EBLK, 1), lambda i: (i, 0)),
            pl.BlockSpec((EBLK, 1), lambda i: (i, 0)),
            full((4, C)), full((1, C)), full((C, C)), full((1, C)),
            full((2, C)), full((1, C)), full((1, C)), full((1, 1)),
            full((1, NKNOTS)), full((1, NKNOTS)),
        ],
        out_specs=[
            pl.BlockSpec((EBLK, C), lambda i: (i, 0)),
            pl.BlockSpec((EBLK, 1), lambda i: (i, 0)),
            pl.BlockSpec((1, 1), lambda i: (0, 0)),
            pl.BlockSpec((1, C), lambda i: (0, 0)),
        ],
        out_shape=[
            jax.ShapeDtypeStruct((N * K, C), jnp.float32),
            jax.ShapeDtypeStruct((N * K, 1), jnp.float32),
            jax.ShapeDtypeStruct((1, 1), jnp.float32),
            jax.ShapeDtypeStruct((1, C), jnp.float32),
        ],
    )(idx_flat, r_flat, pw1, pb1.reshape(1, C), pw2, pb2.reshape(1, C),
      hw1, hb1.reshape(1, C), hw2.reshape(1, C), hb2.reshape(1, 1),
      S_m.reshape(1, NKNOTS),
      jnp.concatenate([S_m[1:], S_m[-1:]]).reshape(1, NKNOTS))

    idxcat = jnp.concatenate([idx_flat[:, 0], idx_flat[:, 0] + N])
    u = _sc_gather(x.reshape(2 * N, C), idxcat)

    nsteps = N // NBLK_C
    out = pl.pallas_call(
        _agg_kernel,
        grid=(nsteps,),
        in_specs=[
            pl.BlockSpec((EBLK, C), lambda i: (i, 0)),
            pl.BlockSpec((EBLK, C), lambda i: (i + nsteps, 0)),
            pl.BlockSpec((EBLK, C), lambda i: (i, 0)),
            pl.BlockSpec((EBLK, 1), lambda i: (i, 0)),
            pl.BlockSpec((1, 1), lambda i: (0, 0)),
            pl.BlockSpec((1, C), lambda i: (0, 0)),
            pl.BlockSpec((2, NBLK_C, C), lambda i: (0, i, 0)),
            full((C, 2 * C)), full((1, 2 * C)), full((2 * C, C)), full((1, C)),
        ],
        out_specs=pl.BlockSpec((2, NBLK_C, C), lambda i: (0, i, 0)),
        out_shape=jax.ShapeDtypeStruct((2, N, C), jnp.float32),
    )(u, u, phi, psi, pacc, phacc, x, W1, b1.reshape(1, 2 * C), W2,
      b2.reshape(1, C))

    return out

# --- scband reference (transcript-rebuilt; emitter-appended) ---
"""Pipeline reference for scband-siblocks-12232066859666 (READ-ONLY COPY).

The authoritative reference and input builder live on the scoring server;
editing this copy changes nothing except your own understanding.
"""

import jax, jax.numpy as jnp
import numpy as np

B, N, C = 2, 4096, 128
NUM_KNOTS = 32
RADIUS = 0.2
MAXNB = 32


def _radial_spline(S_m, knots, r):
    r = jnp.clip(r, 0.0, 1.0)
    idx = jnp.floor(r * (NUM_KNOTS - 1)).astype(jnp.int32)
    idx = jnp.clip(idx, 0, NUM_KNOTS - 2)
    w_k = S_m[idx]
    w_k1 = S_m[idx + 1]
    t_k = knots[idx]
    t_k1 = knots[idx + 1]
    wr = (r - t_k) / (t_k1 - t_k + 1e-08)
    return (1.0 - wr) * w_k + wr * w_k1


def setup_inputs(seed: int = 0) -> dict:
    key = jax.random.key(seed)
    ks = jax.random.split(key, 16)
    C2 = 2 * C
    inp = {}
    inp['x'] = jax.random.normal(ks[0], (B, N, C), dtype=jnp.float32)
    # W: Linear(C, 2C) -> ReLU -> Linear(2C, C)
    inp['W1'] = jax.random.normal(ks[1], (C, C2), dtype=jnp.float32) / np.sqrt(C)
    inp['b1'] = jnp.zeros((C2,), dtype=jnp.float32)
    inp['W2'] = jax.random.normal(ks[2], (C2, C), dtype=jnp.float32) / np.sqrt(C2)
    inp['b2'] = jnp.zeros((C,), dtype=jnp.float32)
    # phi_net: Linear(4, C) -> ReLU -> Linear(C, C)
    inp['pw1'] = jax.random.normal(ks[3], (4, C), dtype=jnp.float32) / np.sqrt(4.0)
    inp['pb1'] = jnp.zeros((C,), dtype=jnp.float32)
    inp['pw2'] = jax.random.normal(ks[4], (C, C), dtype=jnp.float32) / np.sqrt(C)
    inp['pb2'] = jnp.zeros((C,), dtype=jnp.float32)
    # h_net: Linear(2, C) -> ReLU -> Linear(C, 1) -> Softplus
    inp['hw1'] = jax.random.normal(ks[5], (2, C), dtype=jnp.float32) / np.sqrt(2.0)
    inp['hb1'] = jnp.zeros((C,), dtype=jnp.float32)
    inp['hw2'] = jax.random.normal(ks[6], (C, 1), dtype=jnp.float32) / np.sqrt(C)
    inp['hb2'] = jnp.zeros((1,), dtype=jnp.float32)
    inp['S_m'] = jax.random.normal(ks[7], (NUM_KNOTS,), dtype=jnp.float32)
    return inp


def reference(x, W1, b1, W2, b2, pw1, pb1, pw2, pb2, hw1, hb1, hw2, hb2, S_m):
    Bb, Nn, Cc = x.shape
    H = int(Nn ** 0.5)
    W_ = H
    gy, gx = jnp.meshgrid(jnp.linspace(0.0, 1.0, H), jnp.linspace(0.0, 1.0, W_), indexing='ij')
    coords = jnp.stack([gy, gx], axis=-1).reshape(1, Nn, 2)
    coords = jnp.tile(coords, (Bb, 1, 1)).astype(jnp.float32)
    pairwise_diff = coords[:, :, None, :] - coords[:, None, :, :]
    dist = jnp.linalg.norm(pairwise_diff, axis=-1)
    mask = dist <= RADIUS
    dist_masked = jnp.where(mask, dist, jnp.inf)
    _, topk_idx = jax.lax.top_k(-dist_masked, MAXNB)  # smallest distances
    K = MAXNB
    b_idx = jnp.repeat(jnp.arange(Bb), Nn * K)
    i_idx = jnp.tile(jnp.repeat(jnp.arange(Nn), K), Bb)
    j_idx = topk_idx.reshape(-1)
    coords_i = coords[b_idx, i_idx]
    coords_j = coords[b_idx, j_idx]
    r = jnp.linalg.norm(coords_i - coords_j, axis=-1)
    h_hidden = jax.nn.relu(coords_i @ hw1 + hb1)
    h_i = jax.nn.softplus(h_hidden @ hw2 + hb2).squeeze(-1)
    r_scaled = r / (h_i + 1e-06)
    knots = jnp.linspace(0.0, 1.0, NUM_KNOTS).astype(jnp.float32)
    psi_vals = _radial_spline(S_m, knots, r_scaled)
    psi_vals = psi_vals / (jnp.abs(psi_vals).mean() + 1e-06)
    xy_input = jnp.concatenate([coords_i, coords_j], axis=-1)
    phi_vals = jax.nn.relu(xy_input @ pw1 + pb1) @ pw2 + pb2
    phi_vals = phi_vals / (jnp.abs(phi_vals).mean(axis=0, keepdims=True) + 1e-06)
    weights = psi_vals[:, None] * phi_vals
    u_y = x[b_idx, j_idx]
    weighted = weights * u_y
    idx_flat = b_idx * Nn + i_idx
    out = jnp.zeros((Bb * Nn, Cc), dtype=jnp.float32).at[idx_flat].add(weighted)
    normalizer = jnp.zeros((Bb * Nn, Cc), dtype=jnp.float32).at[idx_flat].add(jnp.ones_like(weighted))
    normalizer = jnp.clip(normalizer, 1.0, None)
    out = (out / normalizer).reshape(Bb, Nn, Cc)
    pointwise_out = jax.nn.relu(x @ W1 + b1) @ W2 + b2
    return out + pointwise_out

if __name__ == "__main__":
    import jax
    _d = setup_inputs()
    print(jax.jit(kernel)(*tuple(_d.values())))

</pallas_src>

<mosaic_0001>
#map = affine_map<(d0, d1) -> (0, 0)>
#map1 = affine_map<(d0, d1) -> (0)>
module attributes {stable_mosaic.version = 14 : i64} {
  func.func @gather_k(%arg0: i32, %arg1: i32, %arg2: memref<8192x128xf32, #tpu.memory_space<hbm>>, %arg3: memref<262144xi32, #tpu.memory_space<hbm>>, %arg4: memref<262144x128xf32, #tpu.memory_space<hbm>>, %arg5: memref<128xi32, #tpu.memory_space<vmem>>, %arg6: memref<128x128xf32, #tpu.memory_space<vmem>>, %arg7: memref<!tpu.dma_semaphore, #tpu.memory_space<semaphore_mem>>) attributes {dimension_semantics = [#tpu.dimension_semantics<core_parallel>, #tpu.dimension_semantics<subcore_parallel>], iteration_bounds = array<i64: 2, 16>, scalar_prefetch = 0 : i64, scratch_operands = 3 : i64, tpu.core_type = #tpu.core_type<sc_vector_subcore>, window_params = [{transform_indices = #map}, {transform_indices = #map1}, {transform_indices = #map}]} {
    %mul3A = arith.constant 2 : i32
    %mul3A_0 = arith.muli %arg1, %mul3A : i32
    %add3A = arith.addi %mul3A_0, %arg0 : i32
    %mul3A_1 = arith.constant 8192 : i32
    %mul3A_2 = arith.muli %add3A, %mul3A_1 : i32
    %scan3A = arith.constant 0 : i32
    %scan3A_3 = arith.constant 0 : i32
    %scan3A_4 = arith.constant 64 : i32
    %scan3A_5 = arith.addi %scan3A_3, %scan3A_4 : i32
    %scan3A_6 = arith.constant 1 : i32
    scf.for %scan3A_8 = %scan3A_3 to %scan3A_5 step %scan3A_6  : i32 {
      %mul3A_9 = arith.constant 128 : i32
      %mul3A_10 = arith.muli %scan3A_8, %mul3A_9 : i32
      %add3A_11 = arith.addi %mul3A_2, %mul3A_10 : i32
      "tpu.region"() ({
        %run_scoped3A = tpu.sem_alloc : memref<!tpu.dma_semaphore, #tpu.memory_space<semaphore_mem>>
        %dma_start3A_16 = tpu.memref_slice %arg3[%add3A_11] : memref<262144xi32, #tpu.memory_space<hbm>> -> memref<128xi32, #tpu.memory_space<hbm>>
        %dma_start3A_17 = tpu.memref_slice %arg3[%add3A_11] : memref<262144xi32, #tpu.memory_space<hbm>> -> memref<128xi32, #tpu.memory_space<hbm>>
        tpu.enqueue_dma source(%dma_start3A_17 : memref<128xi32, #tpu.memory_space<hbm>>) target(%arg5 : memref<128xi32, #tpu.memory_space<vmem>>) target_semaphore(%run_scoped3A : memref<!tpu.dma_semaphore, #tpu.memory_space<semaphore_mem>>)
        %dma_wait3A_18 = tpu.memref_slice %arg3[%add3A_11] : memref<262144xi32, #tpu.memory_space<hbm>> -> memref<128xi32, #tpu.memory_space<hbm>>
        %dma_wait3A_19 = tpu.memref_slice %arg3[%add3A_11] : memref<262144xi32, #tpu.memory_space<hbm>> -> memref<128xi32, #tpu.memory_space<hbm>>
        tpu.wait_dma2 semaphore(%run_scoped3A : memref<!tpu.dma_semaphore, #tpu.memory_space<semaphore_mem>>) src(%dma_wait3A_19 : memref<128xi32, #tpu.memory_space<hbm>>) dst(%arg5 : memref<128xi32, #tpu.memory_space<vmem>>)
        tpu.yield
      }) : () -> ()
      %dma_start3A = arith.constant 0 : i32
      %dma_start3A_12 = arith.constant 0 : i32
      %dma_start3A_13 = tpu.memref_slice %arg2[%dma_start3A, %dma_start3A_12] : memref<8192x128xf32, #tpu.memory_space<hbm>> -> memref<8192x128xf32, #tpu.memory_space<hbm>>
      tpu.enqueue_indirect_dma source(%dma_start3A_13 : memref<8192x128xf32, #tpu.memory_space<hbm>>) target(%arg6 : memref<128x128xf32, #tpu.memory_space<vmem>>) offsets(%arg5 : memref<128xi32, #tpu.memory_space<vmem>>) semaphore(%arg7 : memref<!tpu.dma_semaphore, #tpu.memory_space<semaphore_mem>>)
      %dma_wait3A = arith.constant 0 : i32
      %dma_wait3A_14 = arith.constant 0 : i32
      %dma_wait3A_15 = tpu.memref_slice %arg2[%dma_wait3A, %dma_wait3A_14] : memref<8192x128xf32, #tpu.memory_space<hbm>> -> memref<8192x128xf32, #tpu.memory_space<hbm>>
      tpu.wait_indirect_dma semaphore(%arg7 : memref<!tpu.dma_semaphore, #tpu.memory_space<semaphore_mem>>) src(%dma_wait3A_15 : memref<8192x128xf32, #tpu.memory_space<hbm>>) dst(%arg6 : memref<128x128xf32, #tpu.memory_space<vmem>>)
      "tpu.region"() ({
        %run_scoped3A = tpu.sem_alloc : memref<!tpu.dma_semaphore, #tpu.memory_space<semaphore_mem>>
        %dma_start3A_16 = arith.constant 0 : i32
        %dma_start3A_17 = tpu.memref_slice %arg4[%add3A_11, %dma_start3A_16] : memref<262144x128xf32, #tpu.memory_space<hbm>> -> memref<128x128xf32, #tpu.memory_space<hbm>>
        %dma_start3A_18 = arith.constant 0 : i32
        %dma_start3A_19 = tpu.memref_slice %arg4[%add3A_11, %dma_start3A_18] : memref<262144x128xf32, #tpu.memory_space<hbm>> -> memref<128x128xf32, #tpu.memory_space<hbm>>
        tpu.enqueue_dma source(%arg6 : memref<128x128xf32, #tpu.memory_space<vmem>>) target(%dma_start3A_19 : memref<128x128xf32, #tpu.memory_space<hbm>>) target_semaphore(%run_scoped3A : memref<!tpu.dma_semaphore, #tpu.memory_space<semaphore_mem>>)
        %dma_wait3A_20 = arith.constant 0 : i32
        %dma_wait3A_21 = tpu.memref_slice %arg4[%add3A_11, %dma_wait3A_20] : memref<262144x128xf32, #tpu.memory_space<hbm>> -> memref<128x128xf32, #tpu.memory_space<hbm>>
        %dma_wait3A_22 = arith.constant 0 : i32
        %dma_wait3A_23 = tpu.memref_slice %arg4[%add3A_11, %dma_wait3A_22] : memref<262144x128xf32, #tpu.memory_space<hbm>> -> memref<128x128xf32, #tpu.memory_space<hbm>>
        tpu.wait_dma2 semaphore(%run_scoped3A : memref<!tpu.dma_semaphore, #tpu.memory_space<semaphore_mem>>) src(%arg6 : memref<128x128xf32, #tpu.memory_space<vmem>>) dst(%dma_wait3A_23 : memref<128x128xf32, #tpu.memory_space<hbm>>)
        tpu.yield
      }) : () -> ()
    }
    %scan3A_7 = arith.constant 64 : i32
    return
  }
}

module attributes {stable_mosaic.version = 14 : i64} {
  func.func @_sel_kernel(%arg0: i32, %arg1: memref<128x16xf32, #tpu.memory_space<vmem>>, %arg2: memref<128x16xf32, #tpu.memory_space<vmem>>, %arg3: memref<128x32xi32, #tpu.memory_space<vmem>>, %arg4: memref<128x32xf32, #tpu.memory_space<vmem>>) attributes {dimension_semantics = [#tpu.dimension_semantics<arbitrary>], iteration_bounds = array<i64: 32>, scalar_prefetch = 0 : i64, scratch_operands = 0 : i64, tpu.core_type = #tpu.core_type<tc>, window_params = [{transform_indices = @transform_0, window_bounds = array<i64: 128, 16>}, {transform_indices = @transform_1, window_bounds = array<i64: 128, 16>}, {transform_indices = @transform_2, window_bounds = array<i64: 128, 32>}, {transform_indices = @transform_3, window_bounds = array<i64: 128, 32>}]} {
    %iota3A = tpu.iota {dimensions = array<i32: 0>} : vector<128x16xi32>
    %mul3A = arith.constant 128 : i32
    %mul3A_0 = arith.muli %arg0, %mul3A : i32
    %add3A = vector.broadcast %mul3A_0 : i32 to vector<128x16xi32>
    %add3A_1 = arith.addi %iota3A, %add3A : vector<128x16xi32>
    %iota3A_2 = tpu.iota {dimensions = array<i32: 1>} : vector<128x16xi32>
    %get3A = arith.constant 0 : index
    %get3A_3 = arith.constant 0 : index
    %get3A_4 = vector.load %arg2[%get3A, %get3A_3] : memref<128x16xf32, #tpu.memory_space<vmem>>, vector<128x16xf32>
    %get3A_5 = arith.constant 0 : index
    %get3A_6 = arith.constant 0 : index
    %get3A_7 = vector.load %arg1[%get3A_5, %get3A_6] : memref<128x16xf32, #tpu.memory_space<vmem>>, vector<128x1xf32>
    %add3A_8 = vector.broadcast %get3A_7 : vector<128x1xf32> to vector<128x16xf32>
    %add3A_9 = arith.addf %add3A_8, %get3A_4 : vector<128x16xf32>
    %sqrt3A = math.sqrt %add3A_9 : vector<128x16xf32>
    %add3A_10 = arith.constant -325 : i32
    %add3A_11 = vector.broadcast %add3A_10 : i32 to vector<128x16xi32>
    %add3A_12 = arith.addi %add3A_1, %add3A_11 : vector<128x16xi32>
    %add3A_13 = arith.addi %add3A_12, %iota3A_2 : vector<128x16xi32>
    %get3A_14 = arith.constant 0 : index
    %get3A_15 = arith.constant 1 : index
    %get3A_16 = vector.load %arg1[%get3A_14, %get3A_15] : memref<128x16xf32, #tpu.memory_space<vmem>>, vector<128x1xf32>
    %add3A_17 = vector.broadcast %get3A_16 : vector<128x1xf32> to vector<128x16xf32>
    %add3A_18 = arith.addf %add3A_17, %get3A_4 : vector<128x16xf32>
    %sqrt3A_19 = math.sqrt %add3A_18 : vector<128x16xf32>
    %add3A_20 = arith.constant -261 : i32
    %add3A_21 = vector.broadcast %add3A_20 : i32 to vector<128x16xi32>
    %add3A_22 = arith.addi %add3A_1, %add3A_21 : vector<128x16xi32>
    %add3A_23 = arith.addi %add3A_22, %iota3A_2 : vector<128x16xi32>
    %get3A_24 = arith.constant 0 : index
    %get3A_25 = arith.constant 2 : index
    %get3A_26 = vector.load %arg1[%get3A_24, %get3A_25] : memref<128x16xf32, #tpu.memory_space<vmem>>, vector<128x1xf32>
    %add3A_27 = vector.broadcast %get3A_26 : vector<128x1xf32> to vector<128x16xf32>
    %add3A_28 = arith.addf %add3A_27, %get3A_4 : vector<128x16xf32>
    %sqrt3A_29 = math.sqrt %add3A_28 : vector<128x16xf32>
    %add3A_30 = arith.constant -197 : i32
    %add3A_31 = vector.broadcast %add3A_30 : i32 to vector<128x16xi32>
    %add3A_32 = arith.addi %add3A_1, %add3A_31 : vector<128x16xi32>
    %add3A_33 = arith.addi %add3A_32, %iota3A_2 : vector<128x16xi32>
    %get3A_34 = arith.constant 0 : index
    %get3A_35 = arith.constant 3 : index
    %get3A_36 = vector.load %arg1[%get3A_34, %get3A_35] : memref<128x16xf32, #tpu.memory_space<vmem>>, vector<128x1xf32>
    %add3A_37 = vector.broadcast %get3A_36 : vector<128x1xf32> to vector<128x16xf32>
    %add3A_38 = arith.addf %add3A_37, %get3A_4 : vector<128x16xf32>
    %sqrt3A_39 = math.sqrt %add3A_38 : vector<128x16xf32>
    %add3A_40 = arith.constant -133 : i32
    %add3A_41 = vector.broadcast %add3A_40 : i32 to vector<128x16xi32>
    %add3A_42 = arith.addi %add3A_1, %add3A_41 : vector<128x16xi32>
    %add3A_43 = arith.addi %add3A_42, %iota3A_2 : vector<128x16xi32>
    %get3A_44 = arith.constant 0 : index
    %get3A_45 = arith.constant 4 : index
    %get3A_46 = vector.load %arg1[%get3A_44, %get3A_45] : memref<128x16xf32, #tpu.memory_space<vmem>>, vector<128x1xf32>
    %add3A_47 = vector.broadcast %get3A_46 : vector<128x1xf32> to vector<128x16xf32>
    %add3A_48 = arith.addf %add3A_47, %get3A_4 : vector<128x16xf32>
    %sqrt3A_49 = math.sqrt %add3A_48 : vector<128x16xf32>
    %add3A_50 = arith.constant -69 : i32
    %add3A_51 = vector.broadcast %add3A_50 : i32 to vector<128x16xi32>
    %add3A_52 = arith.addi %add3A_1, %add3A_51 : vector<128x16xi32>
    %add3A_53 = arith.addi %add3A_52, %iota3A_2 : vector<128x16xi32>
    %get3A_54 = arith.constant 0 : index
    %get3A_55 = arith.constant 5 : index
    %get3A_56 = vector.load %arg1[%get3A_54, %get3A_55] : memref<128x16xf32, #tpu.memory_space<vmem>>, vector<128x1xf32>
    %add3A_57 = vector.broadcast %get3A_56 : vector<128x1xf32> to vector<128x16xf32>
    %add3A_58 = arith.addf %add3A_57, %get3A_4 : vector<128x16xf32>
    %sqrt3A_59 = math.sqrt %add3A_58 : vector<128x16xf32>
    %add3A_60 = arith.constant -5 : i32
    %add3A_61 = vector.broadcast %add3A_60 : i32 to vector<128x16xi32>
    %add3A_62 = arith.addi %add3A_1, %add3A_61 : vector<128x16xi32>
    %add3A_63 = arith.addi %add3A_62, %iota3A_2 : vector<128x16xi32>
    %get3A_64 = arith.constant 0 : index
    %get3A_65 = arith.constant 6 : index
    %get3A_66 = vector.load %arg1[%get3A_64, %get3A_65] : memref<128x16xf32, #tpu.memory_space<vmem>>, vector<128x1xf32>
    %add3A_67 = vector.broadcast %get3A_66 : vector<128x1xf32> to vector<128x16xf32>
    %add3A_68 = arith.addf %add3A_67, %get3A_4 : vector<128x16xf32>
    %sqrt3A_69 = math.sqrt %add3A_68 : vector<128x16xf32>
    %add3A_70 = arith.constant 59 : i32
    %add3A_71 = vector.broadcast %add3A_70 : i32 to vector<128x16xi32>
    %add3A_72 = arith.addi %add3A_1, %add3A_71 : vector<128x16xi32>
    %add3A_73 = arith.addi %add3A_72, %iota3A_2 : vector<128x16xi32>
    %get3A_74 = arith.constant 0 : index
    %get3A_75 = arith.constant 7 : index
    %get3A_76 = vector.load %arg1[%get3A_74, %get3A_75] : memref<128x16xf32, #tpu.memory_space<vmem>>, vector<128x1xf32>
    %add3A_77 = vector.broadcast %get3A_76 : vector<128x1xf32> to vector<128x16xf32>
    %add3A_78 = arith.addf %add3A_77, %get3A_4 : vector<128x16xf32>
    %sqrt3A_79 = math.sqrt %add3A_78 : vector<128x16xf32>
    %add3A_80 = arith.constant 123 : i32
    %add3A_81 = vector.broadcast %add3A_80 : i32 to vector<128x16xi32>
    %add3A_82 = arith.addi %add3A_1, %add3A_81 : vector<128x16xi32>
    %add3A_83 = arith.addi %add3A_82, %iota3A_2 : vector<128x16xi32>
    %get3A_84 = arith.constant 0 : index
    %get3A_85 = arith.constant 8 : index
    %get3A_86 = vector.load %arg1[%get3A_84, %get3A_85] : memref<128x16xf32, #tpu.memory_space<vmem>>, vector<128x1xf32>
    %add3A_87 = vector.broadcast %get3A_86 : vector<128x1xf32> to vector<128x16xf32>
    %add3A_88 = arith.addf %add3A_87, %get3A_4 : vector<128x16xf32>
    %sqrt3A_89 = math.sqrt %add3A_88 : vector<128x16xf32>
    %add3A_90 = arith.constant 187 : i32
    %add3A_91 = vector.broadcast %add3A_90 : i32 to vector<128x16xi32>
    %add3A_92 = arith.addi %add3A_1, %add3A_91 : vector<128x16xi32>
    %add3A_93 = arith.addi %add3A_92, %iota3A_2 : vector<128x16xi32>
    %get3A_94 = arith.constant 0 : index
    %get3A_95 = arith.constant 9 : index
    %get3A_96 = vector.load %arg1[%get3A_94, %get3A_95] : memref<128x16xf32, #tpu.memory_space<vmem>>, vector<128x1xf32>
    %add3A_97 = vector.broadcast %get3A_96 : vector<128x1xf32> to vector<128x16xf32>
    %add3A_98 = arith.addf %add3A_97, %get3A_4 : vector<128x16xf32>
    %sqrt3A_99 = math.sqrt %add3A_98 : vector<128x16xf32>
    %add3A_100 = arith.constant 251 : i32
    %add3A_101 = vector.broadcast %add3A_100 : i32 to vector<128x16xi32>
    %add3A_102 = arith.addi %add3A_1, %add3A_101 : vector<128x16xi32>
    %add3A_103 = arith.addi %add3A_102, %iota3A_2 : vector<128x16xi32>
    %get3A_104 = arith.constant 0 : index
    %get3A_105 = arith.constant 10 : index
    %get3A_106 = vector.load %arg1[%get3A_104, %get3A_105] : memref<128x16xf32, #tpu.memory_space<vmem>>, vector<128x1xf32>
    %add3A_107 = vector.broadcast %get3A_106 : vector<128x1xf32> to vector<128x16xf32>
    %add3A_108 = arith.addf %add3A_107, %get3A_4 : vector<128x16xf32>
    %sqrt3A_109 = math.sqrt %add3A_108 : vector<128x16xf32>
    %add3A_110 = arith.constant 315 : i32
    %add3A_111 = vector.broadcast %add3A_110 : i32 to vector<128x16xi32>
    %add3A_112 = arith.addi %add3A_1, %add3A_111 : vector<128x16xi32>
    %add3A_113 = arith.addi %add3A_112, %iota3A_2 : vector<128x16xi32>
    %concatenate3A = tpu.concatenate %sqrt3A, %sqrt3A_19, %sqrt3A_29, %sqrt3A_39, %sqrt3A_49, %sqrt3A_59, %sqrt3A_69, %sqrt3A_79, %sqrt3A_89, %sqrt3A_99, %sqrt3A_109 in 1 : vector<128x16xf32>, vector<128x16xf32>, vector<128x16xf32>, vector<128x16xf32>, vector<128x16xf32>, vector<128x16xf32>, vector<128x16xf32>, vector<128x16xf32>, vector<128x16xf32>, vector<128x16xf32>, vector<128x16xf32> -> vector<128x176xf32>
    %concatenate3A_114 = tpu.concatenate %add3A_13, %add3A_23, %add3A_33, %add3A_43, %add3A_53, %add3A_63, %add3A_73, %add3A_83, %add3A_93, %add3A_103, %add3A_113 in 1 : vector<128x16xi32>, vector<128x16xi32>, vector<128x16xi32>, vector<128x16xi32>, vector<128x16xi32>, vector<128x16xi32>, vector<128x16xi32>, vector<128x16xi32>, vector<128x16xi32>, vector<128x16xi32>, vector<128x16xi32> -> vector<128x176xi32>
    %reduce_min3A = arith.constant dense<0x7F800000> : vector<128xf32>
    %reduce_min3A_115 = vector.multi_reduction <minimumf>, %concatenate3A, %reduce_min3A [1] : vector<128x176xf32> to vector<128xf32>
    %broadcast_in_dim3A = vector.shape_cast %reduce_min3A_115 : vector<128xf32> to vector<128x1xf32>
    %eq3A = vector.broadcast %broadcast_in_dim3A : vector<128x1xf32> to vector<128x176xf32>
    %eq3A_116 = arith.cmpf oeq, %concatenate3A, %eq3A : vector<128x176xf32>
    %jit3A = arith.constant 1073741824 : i32
    %broadcast_in_dim3A_117 = vector.broadcast %jit3A : i32 to vector<128x176xi32>
    %select_n3A = arith.select %eq3A_116, %concatenate3A_114, %broadcast_in_dim3A_117 : vector<128x176xi1>, vector<128x176xi32>
    %reduce_min3A_118 = arith.constant dense<2147483647> : vector<128xi32>
    %reduce_min3A_119 = vector.multi_reduction <minsi>, %select_n3A, %reduce_min3A_118 [1] : vector<128x176xi32> to vector<128xi32>
    %broadcast_in_dim3A_120 = vector.shape_cast %reduce_min3A_119 : vector<128xi32> to vector<128x1xi32>
    %swap3A = arith.constant 0 : index
    %swap3A_121 = arith.constant 0 : index
    %swap3A_122 = vector.load %arg3[%swap3A, %swap3A_121] : memref<128x32xi32, #tpu.memory_space<vmem>>, vector<128x1xi32>
    tpu.vector_store %arg3[%swap3A, %swap3A_121], %broadcast_in_dim3A_120 {strides = array<i32>} : memref<128x32xi32, #tpu.memory_space<vmem>>, vector<128x1xi32>,
    %swap3A_123 = arith.constant 0 : index
    %swap3A_124 = arith.constant 0 : index
    %swap3A_125 = vector.load %arg4[%swap3A_123, %swap3A_124] : memref<128x32xf32, #tpu.memory_space<vmem>>, vector<128x1xf32>
    tpu.vector_store %arg4[%swap3A_123, %swap3A_124], %broadcast_in_dim3A {strides = array<i32>} : memref<128x32xf32, #tpu.memory_space<vmem>>, vector<128x1xf32>,
    %eq3A_126 = vector.broadcast %broadcast_in_dim3A_120 : vector<128x1xi32> to vector<128x176xi32>
    %eq3A_127 = arith.cmpi eq, %concatenate3A_114, %eq3A_126 : vector<128x176xi32>
    %jit3A_128 = arith.constant 0x7F800000 : f32
    %broadcast_in_dim3A_129 = vector.broadcast %jit3A_128 : f32 to vector<128x176xf32>
    %select_n3A_130 = arith.select %eq3A_127, %broadcast_in_dim3A_129, %concatenate3A : vector<128x176xi1>, vector<128x176xf32>
    %reduce_min3A_131 = arith.constant dense<0x7F800000> : vector<128xf32>
    %reduce_min3A_132 = vector.multi_reduction <minimumf>, %select_n3A_130, %reduce_min3A_131 [1] : vector<128x176xf32> to vector<128xf32>
    %broadcast_in_dim3A_133 = vector.shape_cast %reduce_min3A_132 : vector<128xf32> to vector<128x1xf32>
    %eq3A_134 = vector.broadcast %broadcast_in_dim3A_133 : vector<128x1xf32> to vector<128x176xf32>
    %eq3A_135 = arith.cmpf oeq, %select_n3A_130, %eq3A_134 : vector<128x176xf32>
    %jit3A_136 = arith.constant 1073741824 : i32
    %broadcast_in_dim3A_137 = vector.broadcast %jit3A_136 : i32 to vector<128x176xi32>
    %select_n3A_138 = arith.select %eq3A_135, %concatenate3A_114, %broadcast_in_dim3A_137 : vector<128x176xi1>, vector<128x176xi32>
    %reduce_min3A_139 = arith.constant dense<2147483647> : vector<128xi32>
    %reduce_min3A_140 = vector.multi_reduction <minsi>, %select_n3A_138, %reduce_min3A_139 [1] : vector<128x176xi32> to vector<128xi32>
    %broadcast_in_dim3A_141 = vector.shape_cast %reduce_min3A_140 : vector<128xi32> to vector<128x1xi32>
    %swap3A_142 = arith.constant 0 : index
    %swap3A_143 = arith.constant 1 : index
    %swap3A_144 = vector.load %arg3[%swap3A_142, %swap3A_143] : memref<128x32xi32, #tpu.memory_space<vmem>>, vector<128x1xi32>
    tpu.vector_store %arg3[%swap3A_142, %swap3A_143], %broadcast_in_dim3A_141 {strides = array<i32>} : memref<128x32xi32, #tpu.memory_space<vmem>>, vector<128x1xi32>,
    %swap3A_145 = arith.constant 0 : index
    %swap3A_146 = arith.constant 1 : index
    %swap3A_147 = vector.load %arg4[%swap3A_145, %swap3A_146] : memref<128x32xf32, #tpu.memory_space<vmem>>, vector<128x1xf32>
    tpu.vector_store %arg4[%swap3A_145, %swap3A_146], %broadcast_in_dim3A_133 {strides = array<i32>} : memref<128x32xf32, #tpu.memory_space<vmem>>, vector<128x1xf32>,
    %eq3A_148 = vector.broadcast %broadcast_in_dim3A_141 : vector<128x1xi32> to vector<128x176xi32>
    %eq3A_149 = arith.cmpi eq, %concatenate3A_114, %eq3A_148 : vector<128x176xi32>
    %jit3A_150 = arith.constant 0x7F800000 : f32
    %broadcast_in_dim3A_151 = vector.broadcast %jit3A_150 : f32 to vector<128x176xf32>
    %select_n3A_152 = arith.select %eq3A_149, %broadcast_in_dim3A_151, %select_n3A_130 : vector<128x176xi1>, vector<128x176xf32>
    %reduce_min3A_153 = arith.constant dense<0x7F800000> : vector<128xf32>
    %reduce_min3A_154 = vector.multi_reduction <minimumf>, %select_n3A_152, %reduce_min3A_153 [1] : vector<128x176xf32> to vector<128xf32>
    %broadcast_in_dim3A_155 = vector.shape_cast %reduce_min3A_154 : vector<128xf32> to vector<128x1xf32>
    %eq3A_156 = vector.broadcast %broadcast_in_dim3A_155 : vector<128x1xf32> to vector<128x176xf32>
    %eq3A_157 = arith.cmpf oeq, %select_n3A_152, %eq3A_156 : vector<128x176xf32>
    %jit3A_158 = arith.constant 1073741824 : i32
    %broadcast_in_dim3A_159 = vector.broadcast %jit3A_158 : i32 to vector<128x176xi32>
    %select_n3A_160 = arith.select %eq3A_157, %concatenate3A_114, %broadcast_in_dim3A_159 : vector<128x176xi1>, vector<128x176xi32>
    %reduce_min3A_161 = arith.constant dense<2147483647> : vector<128xi32>
    %reduce_min3A_162 = vector.multi_reduction <minsi>, %select_n3A_160, %reduce_min3A_161 [1] : vector<128x176xi32> to vector<128xi32>
    %broadcast_in_dim3A_163 = vector.shape_cast %reduce_min3A_162 : vector<128xi32> to vector<128x1xi32>
    %swap3A_164 = arith.constant 0 : index
    %swap3A_165 = arith.constant 2 : index
    %swap3A_166 = vector.load %arg3[%swap3A_164, %swap3A_165] : memref<128x32xi32, #tpu.memory_space<vmem>>, vector<128x1xi32>
    tpu.vector_store %arg3[%swap3A_164, %swap3A_165], %broadcast_in_dim3A_163 {strides = array<i32>} : memref<128x32xi32, #tpu.memory_space<vmem>>, vector<128x1xi32>,
    %swap3A_167 = arith.constant 0 : index
    %swap3A_168 = arith.constant 2 : index
    %swap3A_169 = vector.load %arg4[%swap3A_167, %swap3A_168] : memref<128x32xf32, #tpu.memory_space<vmem>>, vector<128x1xf32>
    tpu.vector_store %arg4[%swap3A_167, %swap3A_168], %broadcast_in_dim3A_155 {strides = array<i32>} : memref<128x32xf32, #tpu.memory_space<vmem>>, vector<128x1xf32>,
    %eq3A_170 = vector.broadcast %broadcast_in_dim3A_163 : vector<128x1xi32> to vector<128x176xi32>
    %eq3A_171 = arith.cmpi eq, %concatenate3A_114, %eq3A_170 : vector<128x176xi32>
    %jit3A_172 = arith.constant 0x7F800000 : f32
    %broadcast_in_dim3A_173 = vector.broadcast %jit3A_172 : f32 to vector<128x176xf32>
    %select_n3A_174 = arith.select %eq3A_171, %broadcast_in_dim3A_173, %select_n3A_152 : vector<128x176xi1>, vector<128x176xf32>
    %reduce_min3A_175 = arith.constant dense<0x7F800000> : vector<128xf32>
    %reduce_min3A_176 = vector.multi_reduction <minimumf>, %select_n3A_174, %reduce_min3A_175 [1] : vector<128x176xf32> to vector<128xf32>
    %broadcast_in_dim3A_177 = vector.shape_cast %reduce_min3A_176 : vector<128xf32> to vector<128x1xf32>
    %eq3A_178 = vector.broadcast %broadcast_in_dim3A_177 : vector<128x1xf32> to vector<128x176xf32>
    %eq3A_179 = arith.cmpf oeq, %select_n3A_174, %eq3A_178 : vector<128x176xf32>
    %jit3A_180 = arith.constant 1073741824 : i32
    %broadcast_in_dim3A_181 = vector.broadcast %jit3A_180 : i32 to vector<128x176xi32>
    %select_n3A_182 = arith.select %eq3A_179, %concatenate3A_114, %broadcast_in_dim3A_181 : vector<128x176xi1>, vector<128x176xi32>
    %reduce_min3A_183 = arith.constant dense<2147483647> : vector<128xi32>
    %reduce_min3A_184 = vector.multi_reduction <minsi>, %select_n3A_182, %reduce_min3A_183 [1] : vector<128x176xi32> to vector<128xi32>
    %broadcast_in_dim3A_185 = vector.shape_cast %reduce_min3A_184 : vector<128xi32> to vector<128x1xi32>
    %swap3A_186 = arith.constant 0 : index
    %swap3A_187 = arith.constant 3 : index
    %swap3A_188 = vector.load %arg3[%swap3A_186, %swap3A_187] : memref<128x32xi32, #tpu.memory_space<vmem>>, vector<128x1xi32>
    tpu.vector_store %arg3[%swap3A_186, %swap3A_187], %broadcast_in_dim3A_185 {strides = array<i32>} : memref<128x32xi32, #tpu.memory_space<vmem>>, vector<128x1xi32>,
    %swap3A_189 = arith.constant 0 : index
    %swap3A_190 = arith.constant 3 : index
    %swap3A_191 = vector.load %arg4[%swap3A_189, %swap3A_190] : memref<128x32xf32, #tpu.memory_space<vmem>>, vector<128x1xf32>
    tpu.vector_store %arg4[%swap3A_189, %swap3A_190], %broadcast_in_dim3A_177 {strides = array<i32>} : memref<128x32xf32, #tpu.memory_space<vmem>>, vector<128x1xf32>,
    %eq3A_192 = vector.broadcast %broadcast_in_dim3A_185 : vector<128x1xi32> to vector<128x176xi32>
    %eq3A_193 = arith.cmpi eq, %concatenate3A_114, %eq3A_192 : vector<128x176xi32>
    %jit3A_194 = arith.constant 0x7F800000 : f32
    %broadcast_in_dim3A_195 = vector.broadcast %jit3A_194 : f32 to vector<128x176xf32>
    %select_n3A_196 = arith.select %eq3A_193, %broadcast_in_dim3A_195, %select_n3A_174 : vector<128x176xi1>, vector<128x176xf32>
    %reduce_min3A_197 = arith.constant dense<0x7F800000> : vector<128xf32>
    %reduce_min3A_198 = vector.multi_reduction <minimumf>, %select_n3A_196, %reduce_min3A_197 [1] : vector<128x176xf32> to vector<128xf32>
    %broadcast_in_dim3A_199 = vector.shape_cast %reduce_min3A_198 : vector<128xf32> to vector<128x1xf32>
    %eq3A_200 = vector.broadcast %broadcast_in_dim3A_199 : vector<128x1xf32> to vector<128x176xf32>
    %eq3A_201 = arith.cmpf oeq, %select_n3A_196, %eq3A_200 : vector<128x176xf32>
    %jit3A_202 = arith.constant 1073741824 : i32
    %broadcast_in_dim3A_203 = vector.broadcast %jit3A_202 : i32 to vector<128x176xi32>
    %select_n3A_204 = arith.select %eq3A_201, %concatenate3A_114, %broadcast_in_dim3A_203 : vector<128x176xi1>, vector<128x176xi32>
    %reduce_min3A_205 = arith.constant dense<2147483647> : vector<128xi32>
    %reduce_min3A_206 = vector.multi_reduction <minsi>, %select_n3A_204, %reduce_min3A_205 [1] : vector<128x176xi32> to vector<128xi32>
    %broadcast_in_dim3A_207 = vector.shape_cast %reduce_min3A_206 : vector<128xi32> to vector<128x1xi32>
    %swap3A_208 = arith.constant 0 : index
    %swap3A_209 = arith.constant 4 : index
    %swap3A_210 = vector.load %arg3[%swap3A_208, %swap3A_209] : memref<128x32xi32, #tpu.memory_space<vmem>>, vector<128x1xi32>
    tpu.vector_store %arg3[%swap3A_208, %swap3A_209], %broadcast_in_dim3A_207 {strides = array<i32>} : memref<128x32xi32, #tpu.memory_space<vmem>>, vector<128x1xi32>,
    %swap3A_211 = arith.constant 0 : index
    %swap3A_212 = arith.constant 4 : index
    %swap3A_213 = vector.load %arg4[%swap3A_211, %swap3A_212] : memref<128x32xf32, #tpu.memory_space<vmem>>, vector<128x1xf32>
    tpu.vector_store %arg4[%swap3A_211, %swap3A_212], %broadcast_in_dim3A_199 {strides = array<i32>} : memref<128x32xf32, #tpu.memory_space<vmem>>, vector<128x1xf32>,
    %eq3A_214 = vector.broadcast %broadcast_in_dim3A_207 : vector<128x1xi32> to vector<128x176xi32>
    %eq3A_215 = arith.cmpi eq, %concatenate3A_114, %eq3A_214 : vector<128x176xi32>
    %jit3A_216 = arith.constant 0x7F800000 : f32
    %broadcast_in_dim3A_217 = vector.broadcast %jit3A_216 : f32 to vector<128x176xf32>
    %select_n3A_218 = arith.select %eq3A_215, %broadcast_in_dim3A_217, %select_n3A_196 : vector<128x176xi1>, vector<128x176xf32>
    %reduce_min3A_219 = arith.constant dense<0x7F800000> : vector<128xf32>
    %reduce_min3A_220 = vector.multi_reduction <minimumf>, %select_n3A_218, %reduce_min3A_219 [1] : vector<128x176xf32> to vector<128xf32>
    %broadcast_in_dim3A_221 = vector.shape_cast %reduce_min3A_220 : vector<128xf32> to vector<128x1xf32>
    %eq3A_222 = vector.broadcast %broadcast_in_dim3A_221 : vector<128x1xf32> to vector<128x176xf32>
    %eq3A_223 = arith.cmpf oeq, %select_n3A_218, %eq3A_222 : vector<128x176xf32>
    %jit3A_224 = arith.constant 1073741824 : i32
    %broadcast_in_dim3A_225 = vector.broadcast %jit3A_224 : i32 to vector<128x176xi32>
    %select_n3A_226 = arith.select %eq3A_223, %concatenate3A_114, %broadcast_in_dim3A_225 : vector<128x176xi1>, vector<128x176xi32>
    %reduce_min3A_227 = arith.constant dense<2147483647> : vector<128xi32>
    %reduce_min3A_228 = vector.multi_reduction <minsi>, %select_n3A_226, %reduce_min3A_227 [1] : vector<128x176xi32> to vector<128xi32>
    %broadcast_in_dim3A_229 = vector.shape_cast %reduce_min3A_228 : vector<128xi32> to vector<128x1xi32>
    %swap3A_230 = arith.constant 0 : index
    %swap3A_231 = arith.constant 5 : index
    %swap3A_232 = vector.load %arg3[%swap3A_230, %swap3A_231] : memref<128x32xi32, #tpu.memory_space<vmem>>, vector<128x1xi32>
    tpu.vector_store %arg3[%swap3A_230, %swap3A_231], %broadcast_in_dim3A_229 {strides = array<i32>} : memref<128x32xi32, #tpu.memory_space<vmem>>, vector<128x1xi32>,
    %swap3A_233 = arith.constant 0 : index
    %swap3A_234 = arith.constant 5 : index
    %swap3A_235 = vector.load %arg4[%swap3A_233, %swap3A_234] : memref<128x32xf32, #tpu.memory_space<vmem>>, vector<128x1xf32>
    tpu.vector_store %arg4[%swap3A_233, %swap3A_234], %broadcast_in_dim3A_221 {strides = array<i32>} : memref<128x32xf32, #tpu.memory_space<vmem>>, vector<128x1xf32>,
    %eq3A_236 = vector.broadcast %broadcast_in_dim3A_229 : vector<128x1xi32> to vector<128x176xi32>
    %eq3A_237 = arith.cmpi eq, %concatenate3A_114, %eq3A_236 : vector<128x176xi32>
    %jit3A_238 = arith.constant 0x7F800000 : f32
    %broadcast_in_dim3A_239 = vector.broadcast %jit3A_238 : f32 to vector<128x176xf32>
    %select_n3A_240 = arith.select %eq3A_237, %broadcast_in_dim3A_239, %select_n3A_218 : vector<128x176xi1>, vector<128x176xf32>
    %reduce_min3A_241 = arith.constant dense<0x7F800000> : vector<128xf32>
    %reduce_min3A_242 = vector.multi_reduction <minimumf>, %select_n3A_240, %reduce_min3A_241 [1] : vector<128x176xf32> to vector<128xf32>
    %broadcast_in_dim3A_243 = vector.shape_cast %reduce_min3A_242 : vector<128xf32> to vector<128x1xf32>
    %eq3A_244 = vector.broadcast %broadcast_in_dim3A_243 : vector<128x1xf32> to vector<128x176xf32>
    %eq3A_245 = arith.cmpf oeq, %select_n3A_240, %eq3A_244 : vector<128x176xf32>
    %jit3A_246 = arith.constant 1073741824 : i32
    %broadcast_in_dim3A_247 = vector.broadcast %jit3A_246 : i32 to vector<128x176xi32>
    %select_n3A_248 = arith.select %eq3A_245, %concatenate3A_114, %broadcast_in_dim3A_247 : vector<128x176xi1>, vector<128x176xi32>
    %reduce_min3A_249 = arith.constant dense<2147483647> : vector<128xi32>
    %reduce_min3A_250 = vector.multi_reduction <minsi>, %select_n3A_248, %reduce_min3A_249 [1] : vector<128x176xi32> to vector<128xi32>
    %broadcast_in_dim3A_251 = vector.shape_cast %reduce_min3A_250 : vector<128xi32> to vector<128x1xi32>
    %swap3A_252 = arith.constant 0 : index
    %swap3A_253 = arith.constant 6 : index
    %swap3A_254 = vector.load %arg3[%swap3A_252, %swap3A_253] : memref<128x32xi32, #tpu.memory_space<vmem>>, vector<128x1xi32>
    tpu.vector_store %arg3[%swap3A_252, %swap3A_253], %broadcast_in_dim3A_251 {strides = array<i32>} : memref<128x32xi32, #tpu.memory_space<vmem>>, vector<128x1xi32>,
    %swap3A_255 = arith.constant 0 : index
    %swap3A_256 = arith.constant 6 : index
    %swap3A_257 = vector.load %arg4[%swap3A_255, %swap3A_256] : memref<128x32xf32, #tpu.memory_space<vmem>>, vector<128x1xf32>
    tpu.vector_store %arg4[%swap3A_255, %swap3A_256], %broadcast_in_dim3A_243 {strides = array<i32>} : memref<128x32xf32, #tpu.memory_space<vmem>>, vector<128x1xf32>,
    %eq3A_258 = vector.broadcast %broadcast_in_dim3A_251 : vector<128x1xi32> to vector<128x176xi32>
    %eq3A_259 = arith.cmpi eq, %concatenate3A_114, %eq3A_258 : vector<128x176xi32>
    %jit3A_260 = arith.constant 0x7F800000 : f32
    %broadcast_in_dim3A_261 = vector.broadcast %jit3A_260 : f32 to vector<128x176xf32>
    %select_n3A_262 = arith.select %eq3A_259, %broadcast_in_dim3A_261, %select_n3A_240 : vector<128x176xi1>, vector<128x176xf32>
    %reduce_min3A_263 = arith.constant dense<0x7F800000> : vector<128xf32>
    %reduce_min3A_264 = vector.multi_reduction <minimumf>, %select_n3A_262, %reduce_min3A_263 [1] : vector<128x176xf32> to vector<128xf32>
    %broadcast_in_dim3A_265 = vector.shape_cast %reduce_min3A_264 : vector<128xf32> to vector<128x1xf32>
    %eq3A_266 = vector.broadcast %broadcast_in_dim3A_265 : vector<128x1xf32> to vector<128x176xf32>
    %eq3A_267 = arith.cmpf oeq, %select_n3A_262, %eq3A_266 : vector<128x176xf32>
    %jit3A_268 = arith.constant 1073741824 : i32
    %broadcast_in_dim3A_269 = vector.broadcast %jit3A_268 : i32 to vector<128x176xi32>
    %select_n3A_270 = arith.select %eq3A_267, %concatenate3A_114, %broadcast_in_dim3A_269 : vector<128x176xi1>, vector<128x176xi32>
    %reduce_min3A_271 = arith.constant dense<2147483647> : vector<128xi32>
    %reduce_min3A_272 = vector.multi_reduction <minsi>, %select_n3A_270, %reduce_min3A_271 [1] : vector<128x176xi32> to vector<128xi32>
    %broadcast_in_dim3A_273 = vector.shape_cast %reduce_min3A_272 : vector<128xi32> to vector<128x1xi32>
    %swap3A_274 = arith.constant 0 : index
    %swap3A_275 = arith.constant 7 : index
    %swap3A_276 = vector.load %arg3[%swap3A_274, %swap3A_275] : memref<128x32xi32, #tpu.memory_space<vmem>>, vector<128x1xi32>
    tpu.vector_store %arg3[%swap3A_274, %swap3A_275], %broadcast_in_dim3A_273 {strides = array<i32>} : memref<128x32xi32, #tpu.memory_space<vmem>>, vector<128x1xi32>,
    %swap3A_277 = arith.constant 0 : index
    %swap3A_278 = arith.constant 7 : index
    %swap3A_279 = vector.load %arg4[%swap3A_277, %swap3A_278] : memref<128x32xf32, #tpu.memory_space<vmem>>, vector<128x1xf32>
    tpu.vector_store %arg4[%swap3A_277, %swap3A_278], %broadcast_in_dim3A_265 {strides = array<i32>} : memref<128x32xf32, #tpu.memory_space<vmem>>, vector<128x1xf32>,
    %eq3A_280 = vector.broadcast %broadcast_in_dim3A_273 : vector<128x1xi32> to vector<128x176xi32>
    %eq3A_281 = arith.cmpi eq, %concatenate3A_114, %eq3A_280 : vector<128x176xi32>
    %jit3A_282 = arith.constant 0x7F800000 : f32
    %broadcast_in_dim3A_283 = vector.broadcast %jit3A_282 : f32 to vector<128x176xf32>
    %select_n3A_284 = arith.select %eq3A_281, %broadcast_in_dim3A_283, %select_n3A_262 : vector<128x176xi1>, vector<128x176xf32>
    %reduce_min3A_285 = arith.constant dense<0x7F800000> : vector<128xf32>
    %reduce_min3A_286 = vector.multi_reduction <minimumf>, %select_n3A_284, %reduce_min3A_285 [1] : vector<128x176xf32> to vector<128xf32>
    %broadcast_in_dim3A_287 = vector.shape_cast %reduce_min3A_286 : vector<128xf32> to vector<128x1xf32>
    %eq3A_288 = vector.broadcast %broadcast_in_dim3A_287 : vector<128x1xf32> to vector<128x176xf32>
    %eq3A_289 = arith.cmpf oeq, %select_n3A_284, %eq3A_288 : vector<128x176xf32>
    %jit3A_290 = arith.constant 1073741824 : i32
    %broadcast_in_dim3A_291 = vector.broadcast %jit3A_290 : i32 to vector<128x176xi32>
    %select_n3A_292 = arith.select %eq3A_289, %concatenate3A_114, %broadcast_in_dim3A_291 : vector<128x176xi1>, vector<128x176xi32>
    %reduce_min3A_293 = arith.constant dense<2147483647> : vector<128xi32>
    %reduce_min3A_294 = vector.multi_reduction <minsi>, %select_n3A_292, %reduce_min3A_293 [1] : vector<128x176xi32> to vector<128xi32>
    %broadcast_in_dim3A_295 = vector.shape_cast %reduce_min3A_294 : vector<128xi32> to vector<128x1xi32>
    %swap3A_296 = arith.constant 0 : index
    %swap3A_297 = arith.constant 8 : index
    %swap3A_298 = vector.load %arg3[%swap3A_296, %swap3A_297] : memref<128x32xi32, #tpu.memory_space<vmem>>, vector<128x1xi32>
    tpu.vector_store %arg3[%swap3A_296, %swap3A_297], %broadcast_in_dim3A_295 {strides = array<i32>} : memref<128x32xi32, #tpu.memory_space<vmem>>, vector<128x1xi32>,
    %swap3A_299 = arith.constant 0 : index
    %swap3A_300 = arith.constant 8 : index
    %swap3A_301 = vector.load %arg4[%swap3A_299, %swap3A_300] : memref<128x32xf32, #tpu.memory_space<vmem>>, vector<128x1xf32>
    tpu.vector_store %arg4[%swap3A_299, %swap3A_300], %broadcast_in_dim3A_287 {strides = array<i32>} : memref<128x32xf32, #tpu.memory_space<vmem>>, vector<128x1xf32>,
    %eq3A_302 = vector.broadcast %broadcast_in_dim3A_295 : vector<128x1xi32> to vector<128x176xi32>
    %eq3A_303 = arith.cmpi eq, %concatenate3A_114, %eq3A_302 : vector<128x176xi32>
    %jit3A_304 = arith.constant 0x7F800000 : f32
    %broadcast_in_dim3A_305 = vector.broadcast %jit3A_304 : f32 to vector<128x176xf32>
    %select_n3A_306 = arith.select %eq3A_303, %broadcast_in_dim3A_305, %select_n3A_284 : vector<128x176xi1>, vector<128x176xf32>
    %reduce_min3A_307 = arith.constant dense<0x7F800000> : vector<128xf32>
    %reduce_min3A_308 = vector.multi_reduction <minimumf>, %select_n3A_306, %reduce_min3A_307 [1] : vector<128x176xf32> to vector<128xf32>
    %broadcast_in_dim3A_309 = vector.shape_cast %reduce_min3A_308 : vector<128xf32> to vector<128x1xf32>
    %eq3A_310 = vector.broadcast %broadcast_in_dim3A_309 : vector<128x1xf32> to vector<128x176xf32>
    %eq3A_311 = arith.cmpf oeq, %select_n3A_306, %eq3A_310 : vector<128x176xf32>
    %jit3A_312 = arith.constant 1073741824 : i32
    %broadcast_in_dim3A_313 = vector.broadcast %jit3A_312 : i32 to vector<128x176xi32>
    %select_n3A_314 = arith.select %eq3A_311, %concatenate3A_114, %broadcast_in_dim3A_313 : vector<128x176xi1>, vector<128x176xi32>
    %reduce_min3A_315 = arith.constant dense<2147483647> : vector<128xi32>
    %reduce_min3A_316 = vector.multi_reduction <minsi>, %select_n3A_314, %reduce_min3A_315 [1] : vector<128x176xi32> to vector<128xi32>
    %broadcast_in_dim3A_317 = vector.shape_cast %reduce_min3A_316 : vector<128xi32> to vector<128x1xi32>
    %swap3A_318 = arith.constant 0 : index
    %swap3A_319 = arith.constant 9 : index
    %swap3A_320 = vector.load %arg3[%swap3A_318, %swap3A_319] : memref<128x32xi32, #tpu.memory_space<vmem>>, vector<128x1xi32>
    tpu.vector_store %arg3[%swap3A_318, %swap3A_319], %broadcast_in_dim3A_317 {strides = array<i32>} : memref<128x32xi32, #tpu.memory_space<vmem>>, vector<128x1xi32>,
    %swap3A_321 = arith.constant 0 : index
    %swap3A_322 = arith.constant 9 : index
    %swap3A_323 = vector.load %arg4[%swap3A_321, %swap3A_322] : memref<128x32xf32, #tpu.memory_space<vmem>>, vector<128x1xf32>
    tpu.vector_store %arg4[%swap3A_321, %swap3A_322], %broadcast_in_dim3A_309 {strides = array<i32>} : memref<128x32xf32, #tpu.memory_space<vmem>>, vector<128x1xf32>,
    %eq3A_324 = vector.broadcast %broadcast_in_dim3A_317 : vector<128x1xi32> to vector<128x176xi32>
    %eq3A_325 = arith.cmpi eq, %concatenate3A_114, %eq3A_324 : vector<128x176xi32>
    %jit3A_326 = arith.constant 0x7F800000 : f32
    %broadcast_in_dim3A_327 = vector.broadcast %jit3A_326 : f32 to vector<128x176xf32>
    %select_n3A_328 = arith.select %eq3A_325, %broadcast_in_dim3A_327, %select_n3A_306 : vector<128x176xi1>, vector<128x176xf32>
    %reduce_min3A_329 = arith.constant dense<0x7F800000> : vector<128xf32>
    %reduce_min3A_330 = vector.multi_reduction <minimumf>, %select_n3A_328, %reduce_min3A_329 [1] : vector<128x176xf32> to vector<128xf32>
    %broadcast_in_dim3A_331 = vector.shape_cast %reduce_min3A_330 : vector<128xf32> to vector<128x1xf32>
    %eq3A_332 = vector.broadcast %broadcast_in_dim3A_331 : vector<128x1xf32> to vector<128x176xf32>
    %eq3A_333 = arith.cmpf oeq, %select_n3A_328, %eq3A_332 : vector<128x176xf32>
    %jit3A_334 = arith.constant 1073741824 : i32
    %broadcast_in_dim3A_335 = vector.broadcast %jit3A_334 : i32 to vector<128x176xi32>
    %select_n3A_336 = arith.select %eq3A_333, %concatenate3A_114, %broadcast_in_dim3A_335 : vector<128x176xi1>, vector<128x176xi32>
    %reduce_min3A_337 = arith.constant dense<2147483647> : vector<128xi32>
    %reduce_min3A_338 = vector.multi_reduction <minsi>, %select_n3A_336, %reduce_min3A_337 [1] : vector<128x176xi32> to vector<128xi32>
    %broadcast_in_dim3A_339 = vector.shape_cast %reduce_min3A_338 : vector<128xi32> to vector<128x1xi32>
    %swap3A_340 = arith.constant 0 : index
    %swap3A_341 = arith.constant 10 : index
    %swap3A_342 = vector.load %arg3[%swap3A_340, %swap3A_341] : memref<128x32xi32, #tpu.memory_space<vmem>>, vector<128x1xi32>
    tpu.vector_store %arg3[%swap3A_340, %swap3A_341], %broadcast_in_dim3A_339 {strides = array<i32>} : memref<128x32xi32, #tpu.memory_space<vmem>>, vector<128x1xi32>,
    %swap3A_343 = arith.constant 0 : index
    %swap3A_344 = arith.constant 10 : index
    %swap3A_345 = vector.load %arg4[%swap3A_343, %swap3A_344] : memref<128x32xf32, #tpu.memory_space<vmem>>, vector<128x1xf32>
    tpu.vector_store %arg4[%swap3A_343, %swap3A_344], %broadcast_in_dim3A_331 {strides = array<i32>} : memref<128x32xf32, #tpu.memory_space<vmem>>, vector<128x1xf32>,
    %eq3A_346 = vector.broadcast %broadcast_in_dim3A_339 : vector<128x1xi32> to vector<128x176xi32>
    %eq3A_347 = arith.cmpi eq, %concatenate3A_114, %eq3A_346 : vector<128x176xi32>
    %jit3A_348 = arith.constant 0x7F800000 : f32
    %broadcast_in_dim3A_349 = vector.broadcast %jit3A_348 : f32 to vector<128x176xf32>
    %select_n3A_350 = arith.select %eq3A_347, %broadcast_in_dim3A_349, %select_n3A_328 : vector<128x176xi1>, vector<128x176xf32>
    %reduce_min3A_351 = arith.constant dense<0x7F800000> : vector<128xf32>
    %reduce_min3A_352 = vector.multi_reduction <minimumf>, %select_n3A_350, %reduce_min3A_351 [1] : vector<128x176xf32> to vector<128xf32>
    %broadcast_in_dim3A_353 = vector.shape_cast %reduce_min3A_352 : vector<128xf32> to vector<128x1xf32>
    %eq3A_354 = vector.broadcast %broadcast_in_dim3A_353 : vector<128x1xf32> to vector<128x176xf32>
    %eq3A_355 = arith.cmpf oeq, %select_n3A_350, %eq3A_354 : vector<128x176xf32>
    %jit3A_356 = arith.constant 1073741824 : i32
    %broadcast_in_dim3A_357 = vector.broadcast %jit3A_356 : i32 to vector<128x176xi32>
    %select_n3A_358 = arith.select %eq3A_355, %concatenate3A_114, %broadcast_in_dim3A_357 : vector<128x176xi1>, vector<128x176xi32>
    %reduce_min3A_359 = arith.constant dense<2147483647> : vector<128xi32>
    %reduce_min3A_360 = vector.multi_reduction <minsi>, %select_n3A_358, %reduce_min3A_359 [1] : vector<128x176xi32> to vector<128xi32>
    %broadcast_in_dim3A_361 = vector.shape_cast %reduce_min3A_360 : vector<128xi32> to vector<128x1xi32>
    %swap3A_362 = arith.constant 0 : index
    %swap3A_363 = arith.constant 11 : index
    %swap3A_364 = vector.load %arg3[%swap3A_362, %swap3A_363] : memref<128x32xi32, #tpu.memory_space<vmem>>, vector<128x1xi32>
    tpu.vector_store %arg3[%swap3A_362, %swap3A_363], %broadcast_in_dim3A_361 {strides = array<i32>} : memref<128x32xi32, #tpu.memory_space<vmem>>, vector<128x1xi32>,
    %swap3A_365 = arith.constant 0 : index
    %swap3A_366 = arith.constant 11 : index
    %swap3A_367 = vector.load %arg4[%swap3A_365, %swap3A_366] : memref<128x32xf32, #tpu.memory_space<vmem>>, vector<128x1xf32>
    tpu.vector_store %arg4[%swap3A_365, %swap3A_366], %broadcast_in_dim3A_353 {strides = array<i32>} : memref<128x32xf32, #tpu.memory_space<vmem>>, vector<128x1xf32>,
    %eq3A_368 = vector.broadcast %broadcast_in_dim3A_361 : vector<128x1xi32> to vector<128x176xi32>
    %eq3A_369 = arith.cmpi eq, %concatenate3A_114, %eq3A_368 : vector<128x176xi32>
    %jit3A_370 = arith.constant 0x7F800000 : f32
    %broadcast_in_dim3A_371 = vector.broadcast %jit3A_370 : f32 to vector<128x176xf32>
    %select_n3A_372 = arith.select %eq3A_369, %broadcast_in_dim3A_371, %select_n3A_350 : vector<128x176xi1>, vector<128x176xf32>
    %reduce_min3A_373 = arith.constant dense<0x7F800000> : vector<128xf32>
    %reduce_min3A_374 = vector.multi_reduction <minimumf>, %select_n3A_372, %reduce_min3A_373 [1] : vector<128x176xf32> to vector<128xf32>
    %broadcast_in_dim3A_375 = vector.shape_cast %reduce_min3A_374 : vector<128xf32> to vector<128x1xf32>
    %eq3A_376 = vector.broadcast %broadcast_in_dim3A_375 : vector<128x1xf32> to vector<128x176xf32>
    %eq3A_377 = arith.cmpf oeq, %select_n3A_372, %eq3A_376 : vector<128x176xf32>
    %jit3A_378 = arith.constant 1073741824 : i32
    %broadcast_in_dim3A_379 = vector.broadcast %jit3A_378 : i32 to vector<128x176xi32>
    %select_n3A_380 = arith.select %eq3A_377, %concatenate3A_114, %broadcast_in_dim3A_379 : vector<128x176xi1>, vector<128x176xi32>
    %reduce_min3A_381 = arith.constant dense<2147483647> : vector<128xi32>
    %reduce_min3A_382 = vector.multi_reduction <minsi>, %select_n3A_380, %reduce_min3A_381 [1] : vector<128x176xi32> to vector<128xi32>
    %broadcast_in_dim3A_383 = vector.shape_cast %reduce_min3A_382 : vector<128xi32> to vector<128x1xi32>
    %swap3A_384 = arith.constant 0 : index
    %swap3A_385 = arith.constant 12 : index
    %swap3A_386 = vector.load %arg3[%swap3A_384, %swap3A_385] : memref<128x32xi32, #tpu.memory_space<vmem>>, vector<128x1xi32>
    tpu.vector_store %arg3[%swap3A_384, %swap3A_385], %broadcast_in_dim3A_383 {strides = array<i32>} : memref<128x32xi32, #tpu.memory_space<vmem>>, vector<128x1xi32>,
    %swap3A_387 = arith.constant 0 : index
    %swap3A_388 = arith.constant 12 : index
    %swap3A_389 = vector.load %arg4[%swap3A_387, %swap3A_388] : memref<128x32xf32, #tpu.memory_space<vmem>>, vector<128x1xf32>
    tpu.vector_store %arg4[%swap3A_387, %swap3A_388], %broadcast_in_dim3A_375 {strides = array<i32>} : memref<128x32xf32, #tpu.memory_space<vmem>>, vector<128x1xf32>,
    %eq3A_390 = vector.broadcast %broadcast_in_dim3A_383 : vector<128x1xi32> to vector<128x176xi32>
    %eq3A_391 = arith.cmpi eq, %concatenate3A_114, %eq3A_390 : vector<128x176xi32>
    %jit3A_392 = arith.constant 0x7F800000 : f32
    %broadcast_in_dim3A_393 = vector.broadcast %jit3A_392 : f32 to vector<128x176xf32>
    %select_n3A_394 = arith.select %eq3A_391, %broadcast_in_dim3A_393, %select_n3A_372 : vector<128x176xi1>, vector<128x176xf32>
    %reduce_min3A_395 = arith.constant dense<0x7F800000> : vector<128xf32>
    %reduce_min3A_396 = vector.multi_reduction <minimumf>, %select_n3A_394, %reduce_min3A_395 [1] : vector<128x176xf32> to vector<128xf32>
    %broadcast_in_dim3A_397 = vector.shape_cast %reduce_min3A_396 : vector<128xf32> to vector<128x1xf32>
    %eq3A_398 = vector.broadcast %broadcast_in_dim3A_397 : vector<128x1xf32> to vector<128x176xf32>
    %eq3A_399 = arith.cmpf oeq, %select_n3A_394, %eq3A_398 : vector<128x176xf32>
    %jit3A_400 = arith.constant 1073741824 : i32
    %broadcast_in_dim3A_401 = vector.broadcast %jit3A_400 : i32 to vector<128x176xi32>
    %select_n3A_402 = arith.select %eq3A_399, %concatenate3A_114, %broadcast_in_dim3A_401 : vector<128x176xi1>, vector<128x176xi32>
    %reduce_min3A_403 = arith.constant dense<2147483647> : vector<128xi32>
    %reduce_min3A_404 = vector.multi_reduction <minsi>, %select_n3A_402, %reduce_min3A_403 [1] : vector<128x176xi32> to vector<128xi32>
    %broadcast_in_dim3A_405 = vector.shape_cast %reduce_min3A_404 : vector<128xi32> to vector<128x1xi32>
    %swap3A_406 = arith.constant 0 : index
    %swap3A_407 = arith.constant 13 : index
    %swap3A_408 = vector.load %arg3[%swap3A_406, %swap3A_407] : memref<128x32xi32, #tpu.memory_space<vmem>>, vector<128x1xi32>
    tpu.vector_store %arg3[%swap3A_406, %swap3A_407], %broadcast_in_dim3A_405 {strides = array<i32>} : memref<128x32xi32, #tpu.memory_space<vmem>>, vector<128x1xi32>,
    %swap3A_409 = arith.constant 0 : index
    %swap3A_410 = arith.constant 13 : index
    %swap3A_411 = vector.load %arg4[%swap3A_409, %swap3A_410] : memref<128x32xf32, #tpu.memory_space<vmem>>, vector<128x1xf32>
    tpu.vector_store %arg4[%swap3A_409, %swap3A_410], %broadcast_in_dim3A_397 {strides = array<i32>} : memref<128x32xf32, #tpu.memory_space<vmem>>, vector<128x1xf32>,
    %eq3A_412 = vector.broadcast %broadcast_in_dim3A_405 : vector<128x1xi32> to vector<128x176xi32>
    %eq3A_413 = arith.cmpi eq, %concatenate3A_114, %eq3A_412 : vector<128x176xi32>
    %jit3A_414 = arith.constant 0x7F800000 : f32
    %broadcast_in_dim3A_415 = vector.broadcast %jit3A_414 : f32 to vector<128x176xf32>
    %select_n3A_416 = arith.select %eq3A_413, %broadcast_in_dim3A_415, %select_n3A_394 : vector<128x176xi1>, vector<128x176xf32>
    %reduce_min3A_417 = arith.constant dense<0x7F800000> : vector<128xf32>
    %reduce_min3A_418 = vector.multi_reduction <minimumf>, %select_n3A_416, %reduce_min3A_417 [1] : vector<128x176xf32> to vector<128xf32>
    %broadcast_in_dim3A_419 = vector.shape_cast %reduce_min3A_418 : vector<128xf32> to vector<128x1xf32>
    %eq3A_420 = vector.broadcast %broadcast_in_dim3A_419 : vector<128x1xf32> to vector<128x176xf32>
    %eq3A_421 = arith.cmpf oeq, %select_n3A_416, %eq3A_420 : vector<128x176xf32>
    %jit3A_422 = arith.constant 1073741824 : i32
    %broadcast_in_dim3A_423 = vector.broadcast %jit3A_422 : i32 to vector<128x176xi32>
    %select_n3A_424 = arith.select %eq3A_421, %concatenate3A_114, %broadcast_in_dim3A_423 : vector<128x176xi1>, vector<128x176xi32>
    %reduce_min3A_425 = arith.constant dense<2147483647> : vector<128xi32>
    %reduce_min3A_426 = vector.multi_reduction <minsi>, %select_n3A_424, %reduce_min3A_425 [1] : vector<128x176xi32> to vector<128xi32>
    %broadcast_in_dim3A_427 = vector.shape_cast %reduce_min3A_426 : vector<128xi32> to vector<128x1xi32>
    %swap3A_428 = arith.constant 0 : index
    %swap3A_429 = arith.constant 14 : index
    %swap3A_430 = vector.load %arg3[%swap3A_428, %swap3A_429] : memref<128x32xi32, #tpu.memory_space<vmem>>, vector<128x1xi32>
    tpu.vector_store %arg3[%swap3A_428, %swap3A_429], %broadcast_in_dim3A_427 {strides = array<i32>} : memref<128x32xi32, #tpu.memory_space<vmem>>, vector<128x1xi32>,
    %swap3A_431 = arith.constant 0 : index
    %swap3A_432 = arith.constant 14 : index
    %swap3A_433 = vector.load %arg4[%swap3A_431, %swap3A_432] : memref<128x32xf32, #tpu.memory_space<vmem>>, vector<128x1xf32>
    tpu.vector_store %arg4[%swap3A_431, %swap3A_432], %broadcast_in_dim3A_419 {strides = array<i32>} : memref<128x32xf32, #tpu.memory_space<vmem>>, vector<128x1xf32>,
    %eq3A_434 = vector.broadcast %broadcast_in_dim3A_427 : vector<128x1xi32> to vector<128x176xi32>
    %eq3A_435 = arith.cmpi eq, %concatenate3A_114, %eq3A_434 : vector<128x176xi32>
    %jit3A_436 = arith.constant 0x7F800000 : f32
    %broadcast_in_dim3A_437 = vector.broadcast %jit3A_436 : f32 to vector<128x176xf32>
    %select_n3A_438 = arith.select %eq3A_435, %broadcast_in_dim3A_437, %select_n3A_416 : vector<128x176xi1>, vector<128x176xf32>
    %reduce_min3A_439 = arith.constant dense<0x7F800000> : vector<128xf32>
    %reduce_min3A_440 = vector.multi_reduction <minimumf>, %select_n3A_438, %reduce_min3A_439 [1] : vector<128x176xf32> to vector<128xf32>
    %broadcast_in_dim3A_441 = vector.shape_cast %reduce_min3A_440 : vector<128xf32> to vector<128x1xf32>
    %eq3A_442 = vector.broadcast %broadcast_in_dim3A_441 : vector<128x1xf32> to vector<128x176xf32>
    %eq3A_443 = arith.cmpf oeq, %select_n3A_438, %eq3A_442 : vector<128x176xf32>
    %jit3A_444 = arith.constant 1073741824 : i32
    %broadcast_in_dim3A_445 = vector.broadcast %jit3A_444 : i32 to vector<128x176xi32>
    %select_n3A_446 = arith.select %eq3A_443, %concatenate3A_114, %broadcast_in_dim3A_445 : vector<128x176xi1>, vector<128x176xi32>
    %reduce_min3A_447 = arith.constant dense<2147483647> : vector<128xi32>
    %reduce_min3A_448 = vector.multi_reduction <minsi>, %select_n3A_446, %reduce_min3A_447 [1] : vector<128x176xi32> to vector<128xi32>
    %broadcast_in_dim3A_449 = vector.shape_cast %reduce_min3A_448 : vector<128xi32> to vector<128x1xi32>
    %swap3A_450 = arith.constant 0 : index
    %swap3A_451 = arith.constant 15 : index
    %swap3A_452 = vector.load %arg3[%swap3A_450, %swap3A_451] : memref<128x32xi32, #tpu.memory_space<vmem>>, vector<128x1xi32>
    tpu.vector_store %arg3[%swap3A_450, %swap3A_451], %broadcast_in_dim3A_449 {strides = array<i32>} : memref<128x32xi32, #tpu.memory_space<vmem>>, vector<128x1xi32>,
    %swap3A_453 = arith.constant 0 : index
    %swap3A_454 = arith.constant 15 : index
    %swap3A_455 = vector.load %arg4[%swap3A_453, %swap3A_454] : memref<128x32xf32, #tpu.memory_space<vmem>>, vector<128x1xf32>
    tpu.vector_store %arg4[%swap3A_453, %swap3A_454], %broadcast_in_dim3A_441 {strides = array<i32>} : memref<128x32xf32, #tpu.memory_space<vmem>>, vector<128x1xf32>,
    %eq3A_456 = vector.broadcast %broadcast_in_dim3A_449 : vector<128x1xi32> to vector<128x176xi32>
    %eq3A_457 = arith.cmpi eq, %concatenate3A_114, %eq3A_456 : vector<128x176xi32>
    %jit3A_458 = arith.constant 0x7F800000 : f32
    %broadcast_in_dim3A_459 = vector.broadcast %jit3A_458 : f32 to vector<128x176xf32>
    %select_n3A_460 = arith.select %eq3A_457, %broadcast_in_dim3A_459, %select_n3A_438 : vector<128x176xi1>, vector<128x176xf32>
    %reduce_min3A_461 = arith.constant dense<0x7F800000> : vector<128xf32>
    %reduce_min3A_462 = vector.multi_reduction <minimumf>, %select_n3A_460, %reduce_min3A_461 [1] : vector<128x176xf32> to vector<128xf32>
    %broadcast_in_dim3A_463 = vector.shape_cast %reduce_min3A_462 : vector<128xf32> to vector<128x1xf32>
    %eq3A_464 = vector.broadcast %broadcast_in_dim3A_463 : vector<128x1xf32> to vector<128x176xf32>
    %eq3A_465 = arith.cmpf oeq, %select_n3A_460, %eq3A_464 : vector<128x176xf32>
    %jit3A_466 = arith.constant 1073741824 : i32
    %broadcast_in_dim3A_467 = vector.broadcast %jit3A_466 : i32 to vector<128x176xi32>
    %select_n3A_468 = arith.select %eq3A_465, %concatenate3A_114, %broadcast_in_dim3A_467 : vector<128x176xi1>, vector<128x176xi32>
    %reduce_min3A_469 = arith.constant dense<2147483647> : vector<128xi32>
    %reduce_min3A_470 = vector.multi_reduction <minsi>, %select_n3A_468, %reduce_min3A_469 [1] : vector<128x176xi32> to vector<128xi32>
    %broadcast_in_dim3A_471 = vector.shape_cast %reduce_min3A_470 : vector<128xi32> to vector<128x1xi32>
    %swap3A_472 = arith.constant 0 : index
    %swap3A_473 = arith.constant 16 : index
    %swap3A_474 = vector.load %arg3[%swap3A_472, %swap3A_473] : memref<128x32xi32, #tpu.memory_space<vmem>>, vector<128x1xi32>
    tpu.vector_store %arg3[%swap3A_472, %swap3A_473], %broadcast_in_dim3A_471 {strides = array<i32>} : memref<128x32xi32, #tpu.memory_space<vmem>>, vector<128x1xi32>,
    %swap3A_475 = arith.constant 0 : index
    %swap3A_476 = arith.constant 16 : index
    %swap3A_477 = vector.load %arg4[%swap3A_475, %swap3A_476] : memref<128x32xf32, #tpu.memory_space<vmem>>, vector<128x1xf32>
    tpu.vector_store %arg4[%swap3A_475, %swap3A_476], %broadcast_in_dim3A_463 {strides = array<i32>} : memref<128x32xf32, #tpu.memory_space<vmem>>, vector<128x1xf32>,
    %eq3A_478 = vector.broadcast %broadcast_in_dim3A_471 : vector<128x1xi32> to vector<128x176xi32>
    %eq3A_479 = arith.cmpi eq, %concatenate3A_114, %eq3A_478 : vector<128x176xi32>
    %jit3A_480 = arith.constant 0x7F800000 : f32
    %broadcast_in_dim3A_481 = vector.broadcast %jit3A_480 : f32 to vector<128x176xf32>
    %select_n3A_482 = arith.select %eq3A_479, %broadcast_in_dim3A_481, %select_n3A_460 : vector<128x176xi1>, vector<128x176xf32>
    %reduce_min3A_483 = arith.constant dense<0x7F800000> : vector<128xf32>
    %reduce_min3A_484 = vector.multi_reduction <minimumf>, %select_n3A_482, %reduce_min3A_483 [1] : vector<128x176xf32> to vector<128xf32>
    %broadcast_in_dim3A_485 = vector.shape_cast %reduce_min3A_484 : vector<128xf32> to vector<128x1xf32>
    %eq3A_486 = vector.broadcast %broadcast_in_dim3A_485 : vector<128x1xf32> to vector<128x176xf32>
    %eq3A_487 = arith.cmpf oeq, %select_n3A_482, %eq3A_486 : vector<128x176xf32>
    %jit3A_488 = arith.constant 1073741824 : i32
    %broadcast_in_dim3A_489 = vector.broadcast %jit3A_488 : i32 to vector<128x176xi32>
    %select_n3A_490 = arith.select %eq3A_487, %concatenate3A_114, %broadcast_in_dim3A_489 : vector<128x176xi1>, vector<128x176xi32>
    %reduce_min3A_491 = arith.constant dense<2147483647> : vector<128xi32>
    %reduce_min3A_492 = vector.multi_reduction <minsi>, %select_n3A_490, %reduce_min3A_491 [1] : vector<128x176xi32> to vector<128xi32>
    %broadcast_in_dim3A_493 = vector.shape_cast %reduce_min3A_492 : vector<128xi32> to vector<128x1xi32>
    %swap3A_494 = arith.constant 0 : index
    %swap3A_495 = arith.constant 17 : index
    %swap3A_496 = vector.load %arg3[%swap3A_494, %swap3A_495] : memref<128x32xi32, #tpu.memory_space<vmem>>, vector<128x1xi32>
    tpu.vector_store %arg3[%swap3A_494, %swap3A_495], %broadcast_in_dim3A_493 {strides = array<i32>} : memref<128x32xi32, #tpu.memory_space<vmem>>, vector<128x1xi32>,
    %swap3A_497 = arith.constant 0 : index
    %swap3A_498 = arith.constant 17 : index
    %swap3A_499 = vector.load %arg4[%swap3A_497, %swap3A_498] : memref<128x32xf32, #tpu.memory_space<vmem>>, vector<128x1xf32>
    tpu.vector_store %arg4[%swap3A_497, %swap3A_498], %broadcast_in_dim3A_485 {strides = array<i32>} : memref<128x32xf32, #tpu.memory_space<vmem>>, vector<128x1xf32>,
    %eq3A_500 = vector.broadcast %broadcast_in_dim3A_493 : vector<128x1xi32> to vector<128x176xi32>
    %eq3A_501 = arith.cmpi eq, %concatenate3A_114, %eq3A_500 : vector<128x176xi32>
    %jit3A_502 = arith.constant 0x7F800000 : f32
    %broadcast_in_dim3A_503 = vector.broadcast %jit3A_502 : f32 to vector<128x176xf32>
    %select_n3A_504 = arith.select %eq3A_501, %broadcast_in_dim3A_503, %select_n3A_482 : vector<128x176xi1>, vector<128x176xf32>
    %reduce_min3A_505 = arith.constant dense<0x7F800000> : vector<128xf32>
    %reduce_min3A_506 = vector.multi_reduction <minimumf>, %select_n3A_504, %reduce_min3A_505 [1] : vector<128x176xf32> to vector<128xf32>
    %broadcast_in_dim3A_507 = vector.shape_cast %reduce_min3A_506 : vector<128xf32> to vector<128x1xf32>
    %eq3A_508 = vector.broadcast %broadcast_in_dim3A_507 : vector<128x1xf32> to vector<128x176xf32>
    %eq3A_509 = arith.cmpf oeq, %select_n3A_504, %eq3A_508 : vector<128x176xf32>
    %jit3A_510 = arith.constant 1073741824 : i32
    %broadcast_in_dim3A_511 = vector.broadcast %jit3A_510 : i32 to vector<128x176xi32>
    %select_n3A_512 = arith.select %eq3A_509, %concatenate3A_114, %broadcast_in_dim3A_511 : vector<128x176xi1>, vector<128x176xi32>
    %reduce_min3A_513 = arith.constant dense<2147483647> : vector<128xi32>
    %reduce_min3A_514 = vector.multi_reduction <minsi>, %select_n3A_512, %reduce_min3A_513 [1] : vector<128x176xi32> to vector<128xi32>
    %broadcast_in_dim3A_515 = vector.shape_cast %reduce_min3A_514 : vector<128xi32> to vector<128x1xi32>
    %swap3A_516 = arith.constant 0 : index
    %swap3A_517 = arith.constant 18 : index
    %swap3A_518 = vector.load %arg3[%swap3A_516, %swap3A_517] : memref<128x32xi32, #tpu.memory_space<vmem>>, vector<128x1xi32>
    tpu.vector_store %arg3[%swap3A_516, %swap3A_517], %broadcast_in_dim3A_515 {strides = array<i32>} : memref<128x32xi32, #tpu.memory_space<vmem>>, vector<128x1xi32>,
    %swap3A_519 = arith.constant 0 : index
    %swap3A_520 = arith.constant 18 : index
    %swap3A_521 = vector.load %arg4[%swap3A_519, %swap3A_520] : memref<128x32xf32, #tpu.memory_space<vmem>>, vector<128x1xf32>
    tpu.vector_store %arg4[%swap3A_519, %swap3A_520], %broadcast_in_dim3A_507 {strides = array<i32>} : memref<128x32xf32, #tpu.memory_space<vmem>>, vector<128x1xf32>,
    %eq3A_522 = vector.broadcast %broadcast_in_dim3A_515 : vector<128x1xi32> to vector<128x176xi32>
    %eq3A_523 = arith.cmpi eq, %concatenate3A_114, %eq3A_522 : vector<128x176xi32>
    %jit3A_524 = arith.constant 0x7F800000 : f32
    %broadcast_in_dim3A_525 = vector.broadcast %jit3A_524 : f32 to vector<128x176xf32>
    %select_n3A_526 = arith.select %eq3A_523, %broadcast_in_dim3A_525, %select_n3A_504 : vector<128x176xi1>, vector<128x176xf32>
    %reduce_min3A_527 = arith.constant dense<0x7F800000> : vector<128xf32>
    %reduce_min3A_528 = vector.multi_reduction <minimumf>, %select_n3A_526, %reduce_min3A_527 [1] : vector<128x176xf32> to vector<128xf32>
    %broadcast_in_dim3A_529 = vector.shape_cast %reduce_min3A_528 : vector<128xf32> to vector<128x1xf32>
    %eq3A_530 = vector.broadcast %broadcast_in_dim3A_529 : vector<128x1xf32> to vector<128x176xf32>
    %eq3A_531 = arith.cmpf oeq, %select_n3A_526, %eq3A_530 : vector<128x176xf32>
    %jit3A_532 = arith.constant 1073741824 : i32
    %broadcast_in_dim3A_533 = vector.broadcast %jit3A_532 : i32 to vector<128x176xi32>
    %select_n3A_534 = arith.select %eq3A_531, %concatenate3A_114, %broadcast_in_dim3A_533 : vector<128x176xi1>, vector<128x176xi32>
    %reduce_min3A_535 = arith.constant dense<2147483647> : vector<128xi32>
    %reduce_min3A_536 = vector.multi_reduction <minsi>, %select_n3A_534, %reduce_min3A_535 [1] : vector<128x176xi32> to vector<128xi32>
    %broadcast_in_dim3A_537 = vector.shape_cast %reduce_min3A_536 : vector<128xi32> to vector<128x1xi32>
    %swap3A_538 = arith.constant 0 : index
    %swap3A_539 = arith.constant 19 : index
    %swap3A_540 = vector.load %arg3[%swap3A_538, %swap3A_539] : memref<128x32xi32, #tpu.memory_space<vmem>>, vector<128x1xi32>
    tpu.vector_store %arg3[%swap3A_538, %swap3A_539], %broadcast_in_dim3A_537 {strides = array<i32>} : memref<128x32xi32, #tpu.memory_space<vmem>>, vector<128x1xi32>,
    %swap3A_541 = arith.constant 0 : index
    %swap3A_542 = arith.constant 19 : index
    %swap3A_543 = vector.load %arg4[%swap3A_541, %swap3A_542] : memref<128x32xf32, #tpu.memory_space<vmem>>, vector<128x1xf32>
    tpu.vector_store %arg4[%swap3A_541, %swap3A_542], %broadcast_in_dim3A_529 {strides = array<i32>} : memref<128x32xf32, #tpu.memory_space<vmem>>, vector<128x1xf32>,
    %eq3A_544 = vector.broadcast %broadcast_in_dim3A_537 : vector<128x1xi32> to vector<128x176xi32>
    %eq3A_545 = arith.cmpi eq, %concatenate3A_114, %eq3A_544 : vector<128x176xi32>
    %jit3A_546 = arith.constant 0x7F800000 : f32
    %broadcast_in_dim3A_547 = vector.broadcast %jit3A_546 : f32 to vector<128x176xf32>
    %select_n3A_548 = arith.select %eq3A_545, %broadcast_in_dim3A_547, %select_n3A_526 : vector<128x176xi1>, vector<128x176xf32>
    %reduce_min3A_549 = arith.constant dense<0x7F800000> : vector<128xf32>
    %reduce_min3A_550 = vector.multi_reduction <minimumf>, %select_n3A_548, %reduce_min3A_549 [1] : vector<128x176xf32> to vector<128xf32>
    %broadcast_in_dim3A_551 = vector.shape_cast %reduce_min3A_550 : vector<128xf32> to vector<128x1xf32>
    %eq3A_552 = vector.broadcast %broadcast_in_dim3A_551 : vector<128x1xf32> to vector<128x176xf32>
    %eq3A_553 = arith.cmpf oeq, %select_n3A_548, %eq3A_552 : vector<128x176xf32>
    %jit3A_554 = arith.constant 1073741824 : i32
    %broadcast_in_dim3A_555 = vector.broadcast %jit3A_554 : i32 to vector<128x176xi32>
    %select_n3A_556 = arith.select %eq3A_553, %concatenate3A_114, %broadcast_in_dim3A_555 : vector<128x176xi1>, vector<128x176xi32>
    %reduce_min3A_557 = arith.constant dense<2147483647> : vector<128xi32>
    %reduce_min3A_558 = vector.multi_reduction <minsi>, %select_n3A_556, %reduce_min3A_557 [1] : vector<128x176xi32> to vector<128xi32>
    %broadcast_in_dim3A_559 = vector.shape_cast %reduce_min3A_558 : vector<128xi32> to vector<128x1xi32>
    %swap3A_560 = arith.constant 0 : index
    %swap3A_561 = arith.constant 20 : index
    %swap3A_562 = vector.load %arg3[%swap3A_560, %swap3A_561] : memref<128x32xi32, #tpu.memory_space<vmem>>, vector<128x1xi32>
    tpu.vector_store %arg3[%swap3A_560, %swap3A_561], %broadcast_in_dim3A_559 {strides = array<i32>} : memref<128x32xi32, #tpu.memory_space<vmem>>, vector<128x1xi32>,
    %swap3A_563 = arith.constant 0 : index
    %swap3A_564 = arith.constant 20 : index
    %swap3A_565 = vector.load %arg4[%swap3A_563, %swap3A_564] : memref<128x32xf32, #tpu.memory_space<vmem>>, vector<128x1xf32>
    tpu.vector_store %arg4[%swap3A_563, %swap3A_564], %broadcast_in_dim3A_551 {strides = array<i32>} : memref<128x32xf32, #tpu.memory_space<vmem>>, vector<128x1xf32>,
    %eq3A_566 = vector.broadcast %broadcast_in_dim3A_559 : vector<128x1xi32> to vector<128x176xi32>
    %eq3A_567 = arith.cmpi eq, %concatenate3A_114, %eq3A_566 : vector<128x176xi32>
    %jit3A_568 = arith.constant 0x7F800000 : f32
    %broadcast_in_dim3A_569 = vector.broadcast %jit3A_568 : f32 to vector<128x176xf32>
    %select_n3A_570 = arith.select %eq3A_567, %broadcast_in_dim3A_569, %select_n3A_548 : vector<128x176xi1>, vector<128x176xf32>
    %reduce_min3A_571 = arith.constant dense<0x7F800000> : vector<128xf32>
    %reduce_min3A_572 = vector.multi_reduction <minimumf>, %select_n3A_570, %reduce_min3A_571 [1] : vector<128x176xf32> to vector<128xf32>
    %broadcast_in_dim3A_573 = vector.shape_cast %reduce_min3A_572 : vector<128xf32> to vector<128x1xf32>
    %eq3A_574 = vector.broadcast %broadcast_in_dim3A_573 : vector<128x1xf32> to vector<128x176xf32>
    %eq3A_575 = arith.cmpf oeq, %select_n3A_570, %eq3A_574 : vector<128x176xf32>
    %jit3A_576 = arith.constant 1073741824 : i32
    %broadcast_in_dim3A_577 = vector.broadcast %jit3A_576 : i32 to vector<128x176xi32>
    %select_n3A_578 = arith.select %eq3A_575, %concatenate3A_114, %broadcast_in_dim3A_577 : vector<128x176xi1>, vector<128x176xi32>
    %reduce_min3A_579 = arith.constant dense<2147483647> : vector<128xi32>
    %reduce_min3A_580 = vector.multi_reduction <minsi>, %select_n3A_578, %reduce_min3A_579 [1] : vector<128x176xi32> to vector<128xi32>
    %broadcast_in_dim3A_581 = vector.shape_cast %reduce_min3A_580 : vector<128xi32> to vector<128x1xi32>
    %swap3A_582 = arith.constant 0 : index
    %swap3A_583 = arith.constant 21 : index
    %swap3A_584 = vector.load %arg3[%swap3A_582, %swap3A_583] : memref<128x32xi32, #tpu.memory_space<vmem>>, vector<128x1xi32>
    tpu.vector_store %arg3[%swap3A_582, %swap3A_583], %broadcast_in_dim3A_581 {strides = array<i32>} : memref<128x32xi32, #tpu.memory_space<vmem>>, vector<128x1xi32>,
    %swap3A_585 = arith.constant 0 : index
    %swap3A_586 = arith.constant 21 : index
    %swap3A_587 = vector.load %arg4[%swap3A_585, %swap3A_586] : memref<128x32xf32, #tpu.memory_space<vmem>>, vector<128x1xf32>
    tpu.vector_store %arg4[%swap3A_585, %swap3A_586], %broadcast_in_dim3A_573 {strides = array<i32>} : memref<128x32xf32, #tpu.memory_space<vmem>>, vector<128x1xf32>,
    %eq3A_588 = vector.broadcast %broadcast_in_dim3A_581 : vector<128x1xi32> to vector<128x176xi32>
    %eq3A_589 = arith.cmpi eq, %concatenate3A_114, %eq3A_588 : vector<128x176xi32>
    %jit3A_590 = arith.constant 0x7F800000 : f32
    %broadcast_in_dim3A_591 = vector.broadcast %jit3A_590 : f32 to vector<128x176xf32>
    %select_n3A_592 = arith.select %eq3A_589, %broadcast_in_dim3A_591, %select_n3A_570 : vector<128x176xi1>, vector<128x176xf32>
    %reduce_min3A_593 = arith.constant dense<0x7F800000> : vector<128xf32>
    %reduce_min3A_594 = vector.multi_reduction <minimumf>, %select_n3A_592, %reduce_min3A_593 [1] : vector<128x176xf32> to vector<128xf32>
    %broadcast_in_dim3A_595 = vector.shape_cast %reduce_min3A_594 : vector<128xf32> to vector<128x1xf32>
    %eq3A_596 = vector.broadcast %broadcast_in_dim3A_595 : vector<128x1xf32> to vector<128x176xf32>
    %eq3A_597 = arith.cmpf oeq, %select_n3A_592, %eq3A_596 : vector<128x176xf32>
    %jit3A_598 = arith.constant 1073741824 : i32
    %broadcast_in_dim3A_599 = vector.broadcast %jit3A_598 : i32 to vector<128x176xi32>
    %select_n3A_600 = arith.select %eq3A_597, %concatenate3A_114, %broadcast_in_dim3A_599 : vector<128x176xi1>, vector<128x176xi32>
    %reduce_min3A_601 = arith.constant dense<2147483647> : vector<128xi32>
    %reduce_min3A_602 = vector.multi_reduction <minsi>, %select_n3A_600, %reduce_min3A_601 [1] : vector<128x176xi32> to vector<128xi32>
    %broadcast_in_dim3A_603 = vector.shape_cast %reduce_min3A_602 : vector<128xi32> to vector<128x1xi32>
    %swap3A_604 = arith.constant 0 : index
    %swap3A_605 = arith.constant 22 : index
    %swap3A_606 = vector.load %arg3[%swap3A_604, %swap3A_605] : memref<128x32xi32, #tpu.memory_space<vmem>>, vector<128x1xi32>
    tpu.vector_store %arg3[%swap3A_604, %swap3A_605], %broadcast_in_dim3A_603 {strides = array<i32>} : memref<128x32xi32, #tpu.memory_space<vmem>>, vector<128x1xi32>,
    %swap3A_607 = arith.constant 0 : index
    %swap3A_608 = arith.constant 22 : index
    %swap3A_609 = vector.load %arg4[%swap3A_607, %swap3A_608] : memref<128x32xf32, #tpu.memory_space<vmem>>, vector<128x1xf32>
    tpu.vector_store %arg4[%swap3A_607, %swap3A_608], %broadcast_in_dim3A_595 {strides = array<i32>} : memref<128x32xf32, #tpu.memory_space<vmem>>, vector<128x1xf32>,
    %eq3A_610 = vector.broadcast %broadcast_in_dim3A_603 : vector<128x1xi32> to vector<128x176xi32>
    %eq3A_611 = arith.cmpi eq, %concatenate3A_114, %eq3A_610 : vector<128x176xi32>
    %jit3A_612 = arith.constant 0x7F800000 : f32
    %broadcast_in_dim3A_613 = vector.broadcast %jit3A_612 : f32 to vector<128x176xf32>
    %select_n3A_614 = arith.select %eq3A_611, %broadcast_in_dim3A_613, %select_n3A_592 : vector<128x176xi1>, vector<128x176xf32>
    %reduce_min3A_615 = arith.constant dense<0x7F800000> : vector<128xf32>
    %reduce_min3A_616 = vector.multi_reduction <minimumf>, %select_n3A_614, %reduce_min3A_615 [1] : vector<128x176xf32> to vector<128xf32>
    %broadcast_in_dim3A_617 = vector.shape_cast %reduce_min3A_616 : vector<128xf32> to vector<128x1xf32>
    %eq3A_618 = vector.broadcast %broadcast_in_dim3A_617 : vector<128x1xf32> to vector<128x176xf32>
    %eq3A_619 = arith.cmpf oeq, %select_n3A_614, %eq3A_618 : vector<128x176xf32>
    %jit3A_620 = arith.constant 1073741824 : i32
    %broadcast_in_dim3A_621 = vector.broadcast %jit3A_620 : i32 to vector<128x176xi32>
    %select_n3A_622 = arith.select %eq3A_619, %concatenate3A_114, %broadcast_in_dim3A_621 : vector<128x176xi1>, vector<128x176xi32>
    %reduce_min3A_623 = arith.constant dense<2147483647> : vector<128xi32>
    %reduce_min3A_624 = vector.multi_reduction <minsi>, %select_n3A_622, %reduce_min3A_623 [1] : vector<128x176xi32> to vector<128xi32>
    %broadcast_in_dim3A_625 = vector.shape_cast %reduce_min3A_624 : vector<128xi32> to vector<128x1xi32>
    %swap3A_626 = arith.constant 0 : index
    %swap3A_627 = arith.constant 23 : index
    %swap3A_628 = vector.load %arg3[%swap3A_626, %swap3A_627] : memref<128x32xi32, #tpu.memory_space<vmem>>, vector<128x1xi32>
    tpu.vector_store %arg3[%swap3A_626, %swap3A_627], %broadcast_in_dim3A_625 {strides = array<i32>} : memref<128x32xi32, #tpu.memory_space<vmem>>, vector<128x1xi32>,
    %swap3A_629 = arith.constant 0 : index
    %swap3A_630 = arith.constant 23 : index
    %swap3A_631 = vector.load %arg4[%swap3A_629, %swap3A_630] : memref<128x32xf32, #tpu.memory_space<vmem>>, vector<128x1xf32>
    tpu.vector_store %arg4[%swap3A_629, %swap3A_630], %broadcast_in_dim3A_617 {strides = array<i32>} : memref<128x32xf32, #tpu.memory_space<vmem>>, vector<128x1xf32>,
    %eq3A_632 = vector.broadcast %broadcast_in_dim3A_625 : vector<128x1xi32> to vector<128x176xi32>
    %eq3A_633 = arith.cmpi eq, %concatenate3A_114, %eq3A_632 : vector<128x176xi32>
    %jit3A_634 = arith.constant 0x7F800000 : f32
    %broadcast_in_dim3A_635 = vector.broadcast %jit3A_634 : f32 to vector<128x176xf32>
    %select_n3A_636 = arith.select %eq3A_633, %broadcast_in_dim3A_635, %select_n3A_614 : vector<128x176xi1>, vector<128x176xf32>
    %reduce_min3A_637 = arith.constant dense<0x7F800000> : vector<128xf32>
    %reduce_min3A_638 = vector.multi_reduction <minimumf>, %select_n3A_636, %reduce_min3A_637 [1] : vector<128x176xf32> to vector<128xf32>
    %broadcast_in_dim3A_639 = vector.shape_cast %reduce_min3A_638 : vector<128xf32> to vector<128x1xf32>
    %eq3A_640 = vector.broadcast %broadcast_in_dim3A_639 : vector<128x1xf32> to vector<128x176xf32>
    %eq3A_641 = arith.cmpf oeq, %select_n3A_636, %eq3A_640 : vector<128x176xf32>
    %jit3A_642 = arith.constant 1073741824 : i32
    %broadcast_in_dim3A_643 = vector.broadcast %jit3A_642 : i32 to vector<128x176xi32>
    %select_n3A_644 = arith.select %eq3A_641, %concatenate3A_114, %broadcast_in_dim3A_643 : vector<128x176xi1>, vector<128x176xi32>
    %reduce_min3A_645 = arith.constant dense<2147483647> : vector<128xi32>
    %reduce_min3A_646 = vector.multi_reduction <minsi>, %select_n3A_644, %reduce_min3A_645 [1] : vector<128x176xi32> to vector<128xi32>
    %broadcast_in_dim3A_647 = vector.shape_cast %reduce_min3A_646 : vector<128xi32> to vector<128x1xi32>
    %swap3A_648 = arith.constant 0 : index
    %swap3A_649 = arith.constant 24 : index
    %swap3A_650 = vector.load %arg3[%swap3A_648, %swap3A_649] : memref<128x32xi32, #tpu.memory_space<vmem>>, vector<128x1xi32>
    tpu.vector_store %arg3[%swap3A_648, %swap3A_649], %broadcast_in_dim3A_647 {strides = array<i32>} : memref<128x32xi32, #tpu.memory_space<vmem>>, vector<128x1xi32>,
    %swap3A_651 = arith.constant 0 : index
    %swap3A_652 = arith.constant 24 : index
    %swap3A_653 = vector.load %arg4[%swap3A_651, %swap3A_652] : memref<128x32xf32, #tpu.memory_space<vmem>>, vector<128x1xf32>
    tpu.vector_store %arg4[%swap3A_651, %swap3A_652], %broadcast_in_dim3A_639 {strides = array<i32>} : memref<128x32xf32, #tpu.memory_space<vmem>>, vector<128x1xf32>,
    %eq3A_654 = vector.broadcast %broadcast_in_dim3A_647 : vector<128x1xi32> to vector<128x176xi32>
    %eq3A_655 = arith.cmpi eq, %concatenate3A_114, %eq3A_654 : vector<128x176xi32>
    %jit3A_656 = arith.constant 0x7F800000 : f32
    %broadcast_in_dim3A_657 = vector.broadcast %jit3A_656 : f32 to vector<128x176xf32>
    %select_n3A_658 = arith.select %eq3A_655, %broadcast_in_dim3A_657, %select_n3A_636 : vector<128x176xi1>, vector<128x176xf32>
    %reduce_min3A_659 = arith.constant dense<0x7F800000> : vector<128xf32>
    %reduce_min3A_660 = vector.multi_reduction <minimumf>, %select_n3A_658, %reduce_min3A_659 [1] : vector<128x176xf32> to vector<128xf32>
    %broadcast_in_dim3A_661 = vector.shape_cast %reduce_min3A_660 : vector<128xf32> to vector<128x1xf32>
    %eq3A_662 = vector.broadcast %broadcast_in_dim3A_661 : vector<128x1xf32> to vector<128x176xf32>
    %eq3A_663 = arith.cmpf oeq, %select_n3A_658, %eq3A_662 : vector<128x176xf32>
    %jit3A_664 = arith.constant 1073741824 : i32
    %broadcast_in_dim3A_665 = vector.broadcast %jit3A_664 : i32 to vector<128x176xi32>
    %select_n3A_666 = arith.select %eq3A_663, %concatenate3A_114, %broadcast_in_dim3A_665 : vector<128x176xi1>, vector<128x176xi32>
    %reduce_min3A_667 = arith.constant dense<2147483647> : vector<128xi32>
    %reduce_min3A_668 = vector.multi_reduction <minsi>, %select_n3A_666, %reduce_min3A_667 [1] : vector<128x176xi32> to vector<128xi32>
    %broadcast_in_dim3A_669 = vector.shape_cast %reduce_min3A_668 : vector<128xi32> to vector<128x1xi32>
    %swap3A_670 = arith.constant 0 : index
    %swap3A_671 = arith.constant 25 : index
    %swap3A_672 = vector.load %arg3[%swap3A_670, %swap3A_671] : memref<128x32xi32, #tpu.memory_space<vmem>>, vector<128x1xi32>
    tpu.vector_store %arg3[%swap3A_670, %swap3A_671], %broadcast_in_dim3A_669 {strides = array<i32>} : memref<128x32xi32, #tpu.memory_space<vmem>>, vector<128x1xi32>,
    %swap3A_673 = arith.constant 0 : index
    %swap3A_674 = arith.constant 25 : index
    %swap3A_675 = vector.load %arg4[%swap3A_673, %swap3A_674] : memref<128x32xf32, #tpu.memory_space<vmem>>, vector<128x1xf32>
    tpu.vector_store %arg4[%swap3A_673, %swap3A_674], %broadcast_in_dim3A_661 {strides = array<i32>} : memref<128x32xf32, #tpu.memory_space<vmem>>, vector<128x1xf32>,
    %eq3A_676 = vector.broadcast %broadcast_in_dim3A_669 : vector<128x1xi32> to vector<128x176xi32>
    %eq3A_677 = arith.cmpi eq, %concatenate3A_114, %eq3A_676 : vector<128x176xi32>
    %jit3A_678 = arith.constant 0x7F800000 : f32
    %broadcast_in_dim3A_679 = vector.broadcast %jit3A_678 : f32 to vector<128x176xf32>
    %select_n3A_680 = arith.select %eq3A_677, %broadcast_in_dim3A_679, %select_n3A_658 : vector<128x176xi1>, vector<128x176xf32>
    %reduce_min3A_681 = arith.constant dense<0x7F800000> : vector<128xf32>
    %reduce_min3A_682 = vector.multi_reduction <minimumf>, %select_n3A_680, %reduce_min3A_681 [1] : vector<128x176xf32> to vector<128xf32>
    %broadcast_in_dim3A_683 = vector.shape_cast %reduce_min3A_682 : vector<128xf32> to vector<128x1xf32>
    %eq3A_684 = vector.broadcast %broadcast_in_dim3A_683 : vector<128x1xf32> to vector<128x176xf32>
    %eq3A_685 = arith.cmpf oeq, %select_n3A_680, %eq3A_684 : vector<128x176xf32>
    %jit3A_686 = arith.constant 1073741824 : i32
    %broadcast_in_dim3A_687 = vector.broadcast %jit3A_686 : i32 to vector<128x176xi32>
    %select_n3A_688 = arith.select %eq3A_685, %concatenate3A_114, %broadcast_in_dim3A_687 : vector<128x176xi1>, vector<128x176xi32>
    %reduce_min3A_689 = arith.constant dense<2147483647> : vector<128xi32>
    %reduce_min3A_690 = vector.multi_reduction <minsi>, %select_n3A_688, %reduce_min3A_689 [1] : vector<128x176xi32> to vector<128xi32>
    %broadcast_in_dim3A_691 = vector.shape_cast %reduce_min3A_690 : vector<128xi32> to vector<128x1xi32>
    %swap3A_692 = arith.constant 0 : index
    %swap3A_693 = arith.constant 26 : index
    %swap3A_694 = vector.load %arg3[%swap3A_692, %swap3A_693] : memref<128x32xi32, #tpu.memory_space<vmem>>, vector<128x1xi32>
    tpu.vector_store %arg3[%swap3A_692, %swap3A_693], %broadcast_in_dim3A_691 {strides = array<i32>} : memref<128x32xi32, #tpu.memory_space<vmem>>, vector<128x1xi32>,
    %swap3A_695 = arith.constant 0 : index
    %swap3A_696 = arith.constant 26 : index
    %swap3A_697 = vector.load %arg4[%swap3A_695, %swap3A_696] : memref<128x32xf32, #tpu.memory_space<vmem>>, vector<128x1xf32>
    tpu.vector_store %arg4[%swap3A_695, %swap3A_696], %broadcast_in_dim3A_683 {strides = array<i32>} : memref<128x32xf32, #tpu.memory_space<vmem>>, vector<128x1xf32>,
    %eq3A_698 = vector.broadcast %broadcast_in_dim3A_691 : vector<128x1xi32> to vector<128x176xi32>
    %eq3A_699 = arith.cmpi eq, %concatenate3A_114, %eq3A_698 : vector<128x176xi32>
    %jit3A_700 = arith.constant 0x7F800000 : f32
    %broadcast_in_dim3A_701 = vector.broadcast %jit3A_700 : f32 to vector<128x176xf32>
    %select_n3A_702 = arith.select %eq3A_699, %broadcast_in_dim3A_701, %select_n3A_680 : vector<128x176xi1>, vector<128x176xf32>
    %reduce_min3A_703 = arith.constant dense<0x7F800000> : vector<128xf32>
    %reduce_min3A_704 = vector.multi_reduction <minimumf>, %select_n3A_702, %reduce_min3A_703 [1] : vector<128x176xf32> to vector<128xf32>
    %broadcast_in_dim3A_705 = vector.shape_cast %reduce_min3A_704 : vector<128xf32> to vector<128x1xf32>
    %eq3A_706 = vector.broadcast %broadcast_in_dim3A_705 : vector<128x1xf32> to vector<128x176xf32>
    %eq3A_707 = arith.cmpf oeq, %select_n3A_702, %eq3A_706 : vector<128x176xf32>
    %jit3A_708 = arith.constant 1073741824 : i32
    %broadcast_in_dim3A_709 = vector.broadcast %jit3A_708 : i32 to vector<128x176xi32>
    %select_n3A_710 = arith.select %eq3A_707, %concatenate3A_114, %broadcast_in_dim3A_709 : vector<128x176xi1>, vector<128x176xi32>
    %reduce_min3A_711 = arith.constant dense<2147483647> : vector<128xi32>
    %reduce_min3A_712 = vector.multi_reduction <minsi>, %select_n3A_710, %reduce_min3A_711 [1] : vector<128x176xi32> to vector<128xi32>
    %broadcast_in_dim3A_713 = vector.shape_cast %reduce_min3A_712 : vector<128xi32> to vector<128x1xi32>
    %swap3A_714 = arith.constant 0 : index
    %swap3A_715 = arith.constant 27 : index
    %swap3A_716 = vector.load %arg3[%swap3A_714, %swap3A_715] : memref<128x32xi32, #tpu.memory_space<vmem>>, vector<128x1xi32>
    tpu.vector_store %arg3[%swap3A_714, %swap3A_715], %broadcast_in_dim3A_713 {strides = array<i32>} : memref<128x32xi32, #tpu.memory_space<vmem>>, vector<128x1xi32>,
    %swap3A_717 = arith.constant 0 : index
    %swap3A_718 = arith.constant 27 : index
    %swap3A_719 = vector.load %arg4[%swap3A_717, %swap3A_718] : memref<128x32xf32, #tpu.memory_space<vmem>>, vector<128x1xf32>
    tpu.vector_store %arg4[%swap3A_717, %swap3A_718], %broadcast_in_dim3A_705 {strides = array<i32>} : memref<128x32xf32, #tpu.memory_space<vmem>>, vector<128x1xf32>,
    %eq3A_720 = vector.broadcast %broadcast_in_dim3A_713 : vector<128x1xi32> to vector<128x176xi32>
    %eq3A_721 = arith.cmpi eq, %concatenate3A_114, %eq3A_720 : vector<128x176xi32>
    %jit3A_722 = arith.constant 0x7F800000 : f32
    %broadcast_in_dim3A_723 = vector.broadcast %jit3A_722 : f32 to vector<128x176xf32>
    %select_n3A_724 = arith.select %eq3A_721, %broadcast_in_dim3A_723, %select_n3A_702 : vector<128x176xi1>, vector<128x176xf32>
    %reduce_min3A_725 = arith.constant dense<0x7F800000> : vector<128xf32>
    %reduce_min3A_726 = vector.multi_reduction <minimumf>, %select_n3A_724, %reduce_min3A_725 [1] : vector<128x176xf32> to vector<128xf32>
    %broadcast_in_dim3A_727 = vector.shape_cast %reduce_min3A_726 : vector<128xf32> to vector<128x1xf32>
    %eq3A_728 = vector.broadcast %broadcast_in_dim3A_727 : vector<128x1xf32> to vector<128x176xf32>
    %eq3A_729 = arith.cmpf oeq, %select_n3A_724, %eq3A_728 : vector<128x176xf32>
    %jit3A_730 = arith.constant 1073741824 : i32
    %broadcast_in_dim3A_731 = vector.broadcast %jit3A_730 : i32 to vector<128x176xi32>
    %select_n3A_732 = arith.select %eq3A_729, %concatenate3A_114, %broadcast_in_dim3A_731 : vector<128x176xi1>, vector<128x176xi32>
    %reduce_min3A_733 = arith.constant dense<2147483647> : vector<128xi32>
    %reduce_min3A_734 = vector.multi_reduction <minsi>, %select_n3A_732, %reduce_min3A_733 [1] : vector<128x176xi32> to vector<128xi32>
    %broadcast_in_dim3A_735 = vector.shape_cast %reduce_min3A_734 : vector<128xi32> to vector<128x1xi32>
    %swap3A_736 = arith.constant 0 : index
    %swap3A_737 = arith.constant 28 : index
    %swap3A_738 = vector.load %arg3[%swap3A_736, %swap3A_737] : memref<128x32xi32, #tpu.memory_space<vmem>>, vector<128x1xi32>
    tpu.vector_store %arg3[%swap3A_736, %swap3A_737], %broadcast_in_dim3A_735 {strides = array<i32>} : memref<128x32xi32, #tpu.memory_space<vmem>>, vector<128x1xi32>,
    %swap3A_739 = arith.constant 0 : index
    %swap3A_740 = arith.constant 28 : index
    %swap3A_741 = vector.load %arg4[%swap3A_739, %swap3A_740] : memref<128x32xf32, #tpu.memory_space<vmem>>, vector<128x1xf32>
    tpu.vector_store %arg4[%swap3A_739, %swap3A_740], %broadcast_in_dim3A_727 {strides = array<i32>} : memref<128x32xf32, #tpu.memory_space<vmem>>, vector<128x1xf32>,
    %eq3A_742 = vector.broadcast %broadcast_in_dim3A_735 : vector<128x1xi32> to vector<128x176xi32>
    %eq3A_743 = arith.cmpi eq, %concatenate3A_114, %eq3A_742 : vector<128x176xi32>
    %jit3A_744 = arith.constant 0x7F800000 : f32
    %broadcast_in_dim3A_745 = vector.broadcast %jit3A_744 : f32 to vector<128x176xf32>
    %select_n3A_746 = arith.select %eq3A_743, %broadcast_in_dim3A_745, %select_n3A_724 : vector<128x176xi1>, vector<128x176xf32>
    %reduce_min3A_747 = arith.constant dense<0x7F800000> : vector<128xf32>
    %reduce_min3A_748 = vector.multi_reduction <minimumf>, %select_n3A_746, %reduce_min3A_747 [1] : vector<128x176xf32> to vector<128xf32>
    %broadcast_in_dim3A_749 = vector.shape_cast %reduce_min3A_748 : vector<128xf32> to vector<128x1xf32>
    %eq3A_750 = vector.broadcast %broadcast_in_dim3A_749 : vector<128x1xf32> to vector<128x176xf32>
    %eq3A_751 = arith.cmpf oeq, %select_n3A_746, %eq3A_750 : vector<128x176xf32>
    %jit3A_752 = arith.constant 1073741824 : i32
    %broadcast_in_dim3A_753 = vector.broadcast %jit3A_752 : i32 to vector<128x176xi32>
    %select_n3A_754 = arith.select %eq3A_751, %concatenate3A_114, %broadcast_in_dim3A_753 : vector<128x176xi1>, vector<128x176xi32>
    %reduce_min3A_755 = arith.constant dense<2147483647> : vector<128xi32>
    %reduce_min3A_756 = vector.multi_reduction <minsi>, %select_n3A_754, %reduce_min3A_755 [1] : vector<128x176xi32> to vector<128xi32>
    %broadcast_in_dim3A_757 = vector.shape_cast %reduce_min3A_756 : vector<128xi32> to vector<128x1xi32>
    %swap3A_758 = arith.constant 0 : index
    %swap3A_759 = arith.constant 29 : index
    %swap3A_760 = vector.load %arg3[%swap3A_758, %swap3A_759] : memref<128x32xi32, #tpu.memory_space<vmem>>, vector<128x1xi32>
    tpu.vector_store %arg3[%swap3A_758, %swap3A_759], %broadcast_in_dim3A_757 {strides = array<i32>} : memref<128x32xi32, #tpu.memory_space<vmem>>, vector<128x1xi32>,
    %swap3A_761 = arith.constant 0 : index
    %swap3A_762 = arith.constant 29 : index
    %swap3A_763 = vector.load %arg4[%swap3A_761, %swap3A_762] : memref<128x32xf32, #tpu.memory_space<vmem>>, vector<128x1xf32>
    tpu.vector_store %arg4[%swap3A_761, %swap3A_762], %broadcast_in_dim3A_749 {strides = array<i32>} : memref<128x32xf32, #tpu.memory_space<vmem>>, vector<128x1xf32>,
    %eq3A_764 = vector.broadcast %broadcast_in_dim3A_757 : vector<128x1xi32> to vector<128x176xi32>
    %eq3A_765 = arith.cmpi eq, %concatenate3A_114, %eq3A_764 : vector<128x176xi32>
    %jit3A_766 = arith.constant 0x7F800000 : f32
    %broadcast_in_dim3A_767 = vector.broadcast %jit3A_766 : f32 to vector<128x176xf32>
    %select_n3A_768 = arith.select %eq3A_765, %broadcast_in_dim3A_767, %select_n3A_746 : vector<128x176xi1>, vector<128x176xf32>
    %reduce_min3A_769 = arith.constant dense<0x7F800000> : vector<128xf32>
    %reduce_min3A_770 = vector.multi_reduction <minimumf>, %select_n3A_768, %reduce_min3A_769 [1] : vector<128x176xf32> to vector<128xf32>
    %broadcast_in_dim3A_771 = vector.shape_cast %reduce_min3A_770 : vector<128xf32> to vector<128x1xf32>
    %eq3A_772 = vector.broadcast %broadcast_in_dim3A_771 : vector<128x1xf32> to vector<128x176xf32>
    %eq3A_773 = arith.cmpf oeq, %select_n3A_768, %eq3A_772 : vector<128x176xf32>
    %jit3A_774 = arith.constant 1073741824 : i32
    %broadcast_in_dim3A_775 = vector.broadcast %jit3A_774 : i32 to vector<128x176xi32>
    %select_n3A_776 = arith.select %eq3A_773, %concatenate3A_114, %broadcast_in_dim3A_775 : vector<128x176xi1>, vector<128x176xi32>
    %reduce_min3A_777 = arith.constant dense<2147483647> : vector<128xi32>
    %reduce_min3A_778 = vector.multi_reduction <minsi>, %select_n3A_776, %reduce_min3A_777 [1] : vector<128x176xi32> to vector<128xi32>
    %broadcast_in_dim3A_779 = vector.shape_cast %reduce_min3A_778 : vector<128xi32> to vector<128x1xi32>
    %swap3A_780 = arith.constant 0 : index
    %swap3A_781 = arith.constant 30 : index
    %swap3A_782 = vector.load %arg3[%swap3A_780, %swap3A_781] : memref<128x32xi32, #tpu.memory_space<vmem>>, vector<128x1xi32>
    tpu.vector_store %arg3[%swap3A_780, %swap3A_781], %broadcast_in_dim3A_779 {strides = array<i32>} : memref<128x32xi32, #tpu.memory_space<vmem>>, vector<128x1xi32>,
    %swap3A_783 = arith.constant 0 : index
    %swap3A_784 = arith.constant 30 : index
    %swap3A_785 = vector.load %arg4[%swap3A_783, %swap3A_784] : memref<128x32xf32, #tpu.memory_space<vmem>>, vector<128x1xf32>
    tpu.vector_store %arg4[%swap3A_783, %swap3A_784], %broadcast_in_dim3A_771 {strides = array<i32>} : memref<128x32xf32, #tpu.memory_space<vmem>>, vector<128x1xf32>,
    %eq3A_786 = vector.broadcast %broadcast_in_dim3A_779 : vector<128x1xi32> to vector<128x176xi32>
    %eq3A_787 = arith.cmpi eq, %concatenate3A_114, %eq3A_786 : vector<128x176xi32>
    %jit3A_788 = arith.constant 0x7F800000 : f32
    %broadcast_in_dim3A_789 = vector.broadcast %jit3A_788 : f32 to vector<128x176xf32>
    %select_n3A_790 = arith.select %eq3A_787, %broadcast_in_dim3A_789, %select_n3A_768 : vector<128x176xi1>, vector<128x176xf32>
    %reduce_min3A_791 = arith.constant dense<0x7F800000> : vector<128xf32>
    %reduce_min3A_792 = vector.multi_reduction <minimumf>, %select_n3A_790, %reduce_min3A_791 [1] : vector<128x176xf32> to vector<128xf32>
    %broadcast_in_dim3A_793 = vector.shape_cast %reduce_min3A_792 : vector<128xf32> to vector<128x1xf32>
    %eq3A_794 = vector.broadcast %broadcast_in_dim3A_793 : vector<128x1xf32> to vector<128x176xf32>
    %eq3A_795 = arith.cmpf oeq, %select_n3A_790, %eq3A_794 : vector<128x176xf32>
    %jit3A_796 = arith.constant 1073741824 : i32
    %broadcast_in_dim3A_797 = vector.broadcast %jit3A_796 : i32 to vector<128x176xi32>
    %select_n3A_798 = arith.select %eq3A_795, %concatenate3A_114, %broadcast_in_dim3A_797 : vector<128x176xi1>, vector<128x176xi32>
    %reduce_min3A_799 = arith.constant dense<2147483647> : vector<128xi32>
    %reduce_min3A_800 = vector.multi_reduction <minsi>, %select_n3A_798, %reduce_min3A_799 [1] : vector<128x176xi32> to vector<128xi32>
    %broadcast_in_dim3A_801 = vector.shape_cast %reduce_min3A_800 : vector<128xi32> to vector<128x1xi32>
    %swap3A_802 = arith.constant 0 : index
    %swap3A_803 = arith.constant 31 : index
    %swap3A_804 = vector.load %arg3[%swap3A_802, %swap3A_803] : memref<128x32xi32, #tpu.memory_space<vmem>>, vector<128x1xi32>
    tpu.vector_store %arg3[%swap3A_802, %swap3A_803], %broadcast_in_dim3A_801 {strides = array<i32>} : memref<128x32xi32, #tpu.memory_space<vmem>>, vector<128x1xi32>,
    %swap3A_805 = arith.constant 0 : index
    %swap3A_806 = arith.constant 31 : index
    %swap3A_807 = vector.load %arg4[%swap3A_805, %swap3A_806] : memref<128x32xf32, #tpu.memory_space<vmem>>, vector<128x1xf32>
    tpu.vector_store %arg4[%swap3A_805, %swap3A_806], %broadcast_in_dim3A_793 {strides = array<i32>} : memref<128x32xf32, #tpu.memory_space<vmem>>, vector<128x1xf32>,
    return
  }
  func.func @transform_0(%arg0: i32) -> (i32, i32) {
    %c0_i32 = arith.constant 0 : i32
    %c0_i32_0 = arith.constant 0 : i32
    return %arg0, %c0_i32 : i32, i32
  }
  func.func @transform_1(%arg0: i32) -> (i32, i32) {
    %c0_i32 = arith.constant 0 : i32
    %c0_i32_0 = arith.constant 0 : i32
    return %arg0, %c0_i32 : i32, i32
  }
  func.func @transform_2(%arg0: i32) -> (i32, i32) {
    %c0_i32 = arith.constant 0 : i32
    %c0_i32_0 = arith.constant 0 : i32
    return %arg0, %c0_i32 : i32, i32
  }
  func.func @transform_3(%arg0: i32) -> (i32, i32) {
    %c0_i32 = arith.constant 0 : i32
    %c0_i32_0 = arith.constant 0 : i32
    return %arg0, %c0_i32 : i32, i32
  }
}

module attributes {stable_mosaic.version = 14 : i64} {
  func.func @_edge_kernel(%arg0: i32, %arg1: memref<2048x1xi32, #tpu.memory_space<vmem>>, %arg2: memref<2048x1xf32, #tpu.memory_space<vmem>>, %arg3: memref<4x128xf32, #tpu.memory_space<vmem>>, %arg4: memref<1x128xf32, #tpu.memory_space<vmem>>, %arg5: memref<128x128xf32, #tpu.memory_space<vmem>>, %arg6: memref<1x128xf32, #tpu.memory_space<vmem>>, %arg7: memref<2x128xf32, #tpu.memory_space<vmem>>, %arg8: memref<1x128xf32, #tpu.memory_space<vmem>>, %arg9: memref<1x128xf32, #tpu.memory_space<vmem>>, %arg10: memref<1x1xf32, #tpu.memory_space<vmem>>, %arg11: memref<1x32xf32, #tpu.memory_space<vmem>>, %arg12: memref<1x32xf32, #tpu.memory_space<vmem>>, %arg13: memref<2048x128xf32, #tpu.memory_space<vmem>>, %arg14: memref<2048x1xf32, #tpu.memory_space<vmem>>, %arg15: memref<1x1xf32, #tpu.memory_space<vmem>>, %arg16: memref<1x128xf32, #tpu.memory_space<vmem>>) attributes {dimension_semantics = [#tpu.dimension_semantics<arbitrary>], iteration_bounds = array<i64: 64>, scalar_prefetch = 0 : i64, scratch_operands = 0 : i64, tpu.core_type = #tpu.core_type<tc>, window_params = [{transform_indices = @transform_0, window_bounds = array<i64: 2048, 1>}, {transform_indices = @transform_1, window_bounds = array<i64: 2048, 1>}, {pipeline_mode = #tpu.pipeline_mode<synchronous>, transform_indices = @transform_2, window_bounds = array<i64: 4, 128>}, {pipeline_mode = #tpu.pipeline_mode<synchronous>, transform_indices = @transform_3, window_bounds = array<i64: 1, 128>}, {pipeline_mode = #tpu.pipeline_mode<synchronous>, transform_indices = @transform_4, window_bounds = array<i64: 128, 128>}, {pipeline_mode = #tpu.pipeline_mode<synchronous>, transform_indices = @transform_5, window_bounds = array<i64: 1, 128>}, {pipeline_mode = #tpu.pipeline_mode<synchronous>, transform_indices = @transform_6, window_bounds = array<i64: 2, 128>}, {pipeline_mode = #tpu.pipeline_mode<synchronous>, transform_indices = @transform_7, window_bounds = array<i64: 1, 128>}, {pipeline_mode = #tpu.pipeline_mode<synchronous>, transform_indices = @transform_8, window_bounds = array<i64: 1, 128>}, {pipeline_mode = #tpu.pipeline_mode<synchronous>, transform_indices = @transform_9, window_bounds = array<i64: 1, 1>}, {pipeline_mode = #tpu.pipeline_mode<synchronous>, transform_indices = @transform_10, window_bounds = array<i64: 1, 32>}, {pipeline_mode = #tpu.pipeline_mode<synchronous>, transform_indices = @transform_11, window_bounds = array<i64: 1, 32>}, {transform_indices = @transform_12, window_bounds = array<i64: 2048, 128>}, {transform_indices = @transform_13, window_bounds = array<i64: 2048, 1>}, {pipeline_mode = #tpu.pipeline_mode<synchronous>, transform_indices = @transform_14, window_bounds = array<i64: 1, 1>}, {pipeline_mode = #tpu.pipeline_mode<synchronous>, transform_indices = @transform_15, window_bounds = array<i64: 1, 128>}]} {
    %iota3A = tpu.iota {dimensions = array<i32: 0>} : vector<2048x1xi32>
    %mul3A = arith.constant 2048 : i32
    %mul3A_0 = arith.muli %arg0, %mul3A : i32
    %add3A = vector.broadcast %mul3A_0 : i32 to vector<2048x1xi32>
    %add3A_1 = arith.addi %iota3A, %add3A : vector<2048x1xi32>
    %jit3A = arith.constant 32 : i32
    %div3A = vector.broadcast %jit3A : i32 to vector<2048x1xi32>
    %div3A_2 = arith.divsi %add3A_1, %div3A : vector<2048x1xi32>
    %sign3A = arith.constant 0 : i32
    %sign3A_3 = vector.broadcast %sign3A : i32 to vector<2048x1xi32>
    %sign3A_4 = arith.cmpi sgt, %add3A_1, %sign3A_3 : vector<2048x1xi32>
    %sign3A_5 = arith.extui %sign3A_4 : vector<2048x1xi1> to vector<2048x1xi32>
    %sign3A_6 = arith.constant 0 : i32
    %sign3A_7 = vector.broadcast %sign3A_6 : i32 to vector<2048x1xi32>
    %sign3A_8 = arith.cmpi slt, %add3A_1, %sign3A_7 : vector<2048x1xi32>
    %sign3A_9 = arith.extui %sign3A_8 : vector<2048x1xi1> to vector<2048x1xi32>
    %sign3A_10 = arith.subi %sign3A_5, %sign3A_9 : vector<2048x1xi32>
    %sign3A_11 = arith.constant 0 : i32
    %sign3A_12 = arith.cmpi sgt, %jit3A, %sign3A_11 : i32
    %sign3A_13 = arith.extui %sign3A_12 : i1 to i32
    %sign3A_14 = arith.constant 0 : i32
    %sign3A_15 = arith.cmpi slt, %jit3A, %sign3A_14 : i32
    %sign3A_16 = arith.extui %sign3A_15 : i1 to i32
    %sign3A_17 = arith.subi %sign3A_13, %sign3A_16 : i32
    %ne3A = vector.broadcast %sign3A_17 : i32 to vector<2048x1xi32>
    %ne3A_18 = arith.cmpi ne, %sign3A_10, %ne3A : vector<2048x1xi32>
    %rem3A = vector.broadcast %jit3A : i32 to vector<2048x1xi32>
    %rem3A_19 = arith.remsi %add3A_1, %rem3A : vector<2048x1xi32>
    %ne3A_20 = arith.constant 0 : i32
    %ne3A_21 = vector.broadcast %ne3A_20 : i32 to vector<2048x1xi32>
    %ne3A_22 = arith.cmpi ne, %rem3A_19, %ne3A_21 : vector<2048x1xi32>
    %and3A = arith.andi %ne3A_18, %ne3A_22 : vector<2048x1xi1>
    %sub3A = arith.constant 1 : i32
    %sub3A_23 = vector.broadcast %sub3A : i32 to vector<2048x1xi32>
    %sub3A_24 = arith.subi %div3A_2, %sub3A_23 : vector<2048x1xi32>
    %select_n3A = arith.select %and3A, %sub3A_24, %div3A_2 : vector<2048x1xi1>, vector<2048x1xi32>
    %jit3A_25 = arith.constant 64 : i32
    %div3A_26 = vector.broadcast %jit3A_25 : i32 to vector<2048x1xi32>
    %div3A_27 = arith.divsi %select_n3A, %div3A_26 : vector<2048x1xi32>
    %sign3A_28 = arith.constant 0 : i32
    %sign3A_29 = vector.broadcast %sign3A_28 : i32 to vector<2048x1xi32>
    %sign3A_30 = arith.cmpi sgt, %select_n3A, %sign3A_29 : vector<2048x1xi32>
    %sign3A_31 = arith.extui %sign3A_30 : vector<2048x1xi1> to vector<2048x1xi32>
    %sign3A_32 = arith.constant 0 : i32
    %sign3A_33 = vector.broadcast %sign3A_32 : i32 to vector<2048x1xi32>
    %sign3A_34 = arith.cmpi slt, %select_n3A, %sign3A_33 : vector<2048x1xi32>
    %sign3A_35 = arith.extui %sign3A_34 : vector<2048x1xi1> to vector<2048x1xi32>
    %sign3A_36 = arith.subi %sign3A_31, %sign3A_35 : vector<2048x1xi32>
    %sign3A_37 = arith.constant 0 : i32
    %sign3A_38 = arith.cmpi sgt, %jit3A_25, %sign3A_37 : i32
    %sign3A_39 = arith.extui %sign3A_38 : i1 to i32
    %sign3A_40 = arith.constant 0 : i32
    %sign3A_41 = arith.cmpi slt, %jit3A_25, %sign3A_40 : i32
    %sign3A_42 = arith.extui %sign3A_41 : i1 to i32
    %sign3A_43 = arith.subi %sign3A_39, %sign3A_42 : i32
    %ne3A_44 = vector.broadcast %sign3A_43 : i32 to vector<2048x1xi32>
    %ne3A_45 = arith.cmpi ne, %sign3A_36, %ne3A_44 : vector<2048x1xi32>
    %rem3A_46 = vector.broadcast %jit3A_25 : i32 to vector<2048x1xi32>
    %rem3A_47 = arith.remsi %select_n3A, %rem3A_46 : vector<2048x1xi32>
    %ne3A_48 = arith.constant 0 : i32
    %ne3A_49 = vector.broadcast %ne3A_48 : i32 to vector<2048x1xi32>
    %ne3A_50 = arith.cmpi ne, %rem3A_47, %ne3A_49 : vector<2048x1xi32>
    %and3A_51 = arith.andi %ne3A_45, %ne3A_50 : vector<2048x1xi1>
    %sub3A_52 = arith.constant 1 : i32
    %sub3A_53 = vector.broadcast %sub3A_52 : i32 to vector<2048x1xi32>
    %sub3A_54 = arith.subi %div3A_27, %sub3A_53 : vector<2048x1xi32>
    %select_n3A_55 = arith.select %and3A_51, %sub3A_54, %div3A_27 : vector<2048x1xi1>, vector<2048x1xi32>
    %convert_element_type3A = arith.sitofp %select_n3A_55 : vector<2048x1xi32> to vector<2048x1xf32>
    %mul3A_56 = arith.constant 0.0158730168 : f32
    %mul3A_57 = vector.broadcast %mul3A_56 : f32 to vector<2048x1xf32>
    %mul3A_58 = arith.mulf %convert_element_type3A, %mul3A_57 : vector<2048x1xf32>
    %jit3A_59 = arith.constant 64 : i32
    %eq3A = arith.constant 0 : i32
    %eq3A_60 = arith.cmpi eq, %jit3A_59, %eq3A : i32
    %jit3A_61 = arith.constant 1 : i32
    %select_n3A_62 = arith.select %eq3A_60, %jit3A_61, %jit3A_59 : i32
    %rem3A_63 = vector.broadcast %select_n3A_62 : i32 to vector<2048x1xi32>
    %rem3A_64 = arith.remsi %select_n3A, %rem3A_63 : vector<2048x1xi32>
    %ne3A_65 = arith.constant 0 : i32
    %ne3A_66 = vector.broadcast %ne3A_65 : i32 to vector<2048x1xi32>
    %ne3A_67 = arith.cmpi ne, %rem3A_64, %ne3A_66 : vector<2048x1xi32>
    %lt3A = arith.constant 0 : i32
    %lt3A_68 = vector.broadcast %lt3A : i32 to vector<2048x1xi32>
    %lt3A_69 = arith.cmpi slt, %rem3A_64, %lt3A_68 : vector<2048x1xi32>
    %lt3A_70 = arith.constant 0 : i32
    %lt3A_71 = arith.cmpi slt, %select_n3A_62, %lt3A_70 : i32
    %ne3A_72 = vector.broadcast %lt3A_71 : i1 to vector<2048x1xi1>
    %ne3A_73 = vector.broadcast %ne3A_72 : vector<2048x1xi1> to vector<2048x1xi1>
    %ne3A_74 = arith.xori %lt3A_69, %ne3A_73 : vector<2048x1xi1>
    %and3A_75 = arith.andi %ne3A_74, %ne3A_67 : vector<2048x1xi1>
    %add3A_76 = vector.broadcast %select_n3A_62 : i32 to vector<2048x1xi32>
    %add3A_77 = arith.addi %rem3A_64, %add3A_76 : vector<2048x1xi32>
    %select_n3A_78 = arith.select %and3A_75, %add3A_77, %rem3A_64 : vector<2048x1xi1>, vector<2048x1xi32>
    %convert_element_type3A_79 = arith.sitofp %select_n3A_78 : vector<2048x1xi32> to vector<2048x1xf32>
    %mul3A_80 = arith.constant 0.0158730168 : f32
    %mul3A_81 = vector.broadcast %mul3A_80 : f32 to vector<2048x1xf32>
    %mul3A_82 = arith.mulf %convert_element_type3A_79, %mul3A_81 : vector<2048x1xf32>
    %get3A = arith.constant 0 : index
    %get3A_83 = arith.constant 0 : index
    %get3A_84 = vector.load %arg1[%get3A, %get3A_83] : memref<2048x1xi32, #tpu.memory_space<vmem>>, vector<2048x1xi32>
    %jit3A_85 = arith.constant 64 : i32
    %div3A_86 = vector.broadcast %jit3A_85 : i32 to vector<2048x1xi32>
    %div3A_87 = arith.divsi %get3A_84, %div3A_86 : vector<2048x1xi32>
    %sign3A_88 = arith.constant 0 : i32
    %sign3A_89 = vector.broadcast %sign3A_88 : i32 to vector<2048x1xi32>
    %sign3A_90 = arith.cmpi sgt, %get3A_84, %sign3A_89 : vector<2048x1xi32>
    %sign3A_91 = arith.extui %sign3A_90 : vector<2048x1xi1> to vector<2048x1xi32>
    %sign3A_92 = arith.constant 0 : i32
    %sign3A_93 = vector.broadcast %sign3A_92 : i32 to vector<2048x1xi32>
    %sign3A_94 = arith.cmpi slt, %get3A_84, %sign3A_93 : vector<2048x1xi32>
    %sign3A_95 = arith.extui %sign3A_94 : vector<2048x1xi1> to vector<2048x1xi32>
    %sign3A_96 = arith.subi %sign3A_91, %sign3A_95 : vector<2048x1xi32>
    %sign3A_97 = arith.constant 0 : i32
    %sign3A_98 = arith.cmpi sgt, %jit3A_85, %sign3A_97 : i32
    %sign3A_99 = arith.extui %sign3A_98 : i1 to i32
    %sign3A_100 = arith.constant 0 : i32
    %sign3A_101 = arith.cmpi slt, %jit3A_85, %sign3A_100 : i32
    %sign3A_102 = arith.extui %sign3A_101 : i1 to i32
    %sign3A_103 = arith.subi %sign3A_99, %sign3A_102 : i32
    %ne3A_104 = vector.broadcast %sign3A_103 : i32 to vector<2048x1xi32>
    %ne3A_105 = arith.cmpi ne, %sign3A_96, %ne3A_104 : vector<2048x1xi32>
    %rem3A_106 = vector.broadcast %jit3A_85 : i32 to vector<2048x1xi32>
    %rem3A_107 = arith.remsi %get3A_84, %rem3A_106 : vector<2048x1xi32>
    %ne3A_108 = arith.constant 0 : i32
    %ne3A_109 = vector.broadcast %ne3A_108 : i32 to vector<2048x1xi32>
    %ne3A_110 = arith.cmpi ne, %rem3A_107, %ne3A_109 : vector<2048x1xi32>
    %and3A_111 = arith.andi %ne3A_105, %ne3A_110 : vector<2048x1xi1>
    %sub3A_112 = arith.constant 1 : i32
    %sub3A_113 = vector.broadcast %sub3A_112 : i32 to vector<2048x1xi32>
    %sub3A_114 = arith.subi %div3A_87, %sub3A_113 : vector<2048x1xi32>
    %select_n3A_115 = arith.select %and3A_111, %sub3A_114, %div3A_87 : vector<2048x1xi1>, vector<2048x1xi32>
    %convert_element_type3A_116 = arith.sitofp %select_n3A_115 : vector<2048x1xi32> to vector<2048x1xf32>
    %mul3A_117 = arith.constant 0.0158730168 : f32
    %mul3A_118 = vector.broadcast %mul3A_117 : f32 to vector<2048x1xf32>
    %mul3A_119 = arith.mulf %convert_element_type3A_116, %mul3A_118 : vector<2048x1xf32>
    %jit3A_120 = arith.constant 64 : i32
    %eq3A_121 = arith.constant 0 : i32
    %eq3A_122 = arith.cmpi eq, %jit3A_120, %eq3A_121 : i32
    %jit3A_123 = arith.constant 1 : i32
    %select_n3A_124 = arith.select %eq3A_122, %jit3A_123, %jit3A_120 : i32
    %rem3A_125 = vector.broadcast %select_n3A_124 : i32 to vector<2048x1xi32>
    %rem3A_126 = arith.remsi %get3A_84, %rem3A_125 : vector<2048x1xi32>
    %ne3A_127 = arith.constant 0 : i32
    %ne3A_128 = vector.broadcast %ne3A_127 : i32 to vector<2048x1xi32>
    %ne3A_129 = arith.cmpi ne, %rem3A_126, %ne3A_128 : vector<2048x1xi32>
    %lt3A_130 = arith.constant 0 : i32
    %lt3A_131 = vector.broadcast %lt3A_130 : i32 to vector<2048x1xi32>
    %lt3A_132 = arith.cmpi slt, %rem3A_126, %lt3A_131 : vector<2048x1xi32>
    %lt3A_133 = arith.constant 0 : i32
    %lt3A_134 = arith.cmpi slt, %select_n3A_124, %lt3A_133 : i32
    %ne3A_135 = vector.broadcast %lt3A_134 : i1 to vector<2048x1xi1>
    %ne3A_136 = vector.broadcast %ne3A_135 : vector<2048x1xi1> to vector<2048x1xi1>
    %ne3A_137 = arith.xori %lt3A_132, %ne3A_136 : vector<2048x1xi1>
    %and3A_138 = arith.andi %ne3A_137, %ne3A_129 : vector<2048x1xi1>
    %add3A_139 = vector.broadcast %select_n3A_124 : i32 to vector<2048x1xi32>
    %add3A_140 = arith.addi %rem3A_126, %add3A_139 : vector<2048x1xi32>
    %select_n3A_141 = arith.select %and3A_138, %add3A_140, %rem3A_126 : vector<2048x1xi1>, vector<2048x1xi32>
    %convert_element_type3A_142 = arith.sitofp %select_n3A_141 : vector<2048x1xi32> to vector<2048x1xf32>
    %mul3A_143 = arith.constant 0.0158730168 : f32
    %mul3A_144 = vector.broadcast %mul3A_143 : f32 to vector<2048x1xf32>
    %mul3A_145 = arith.mulf %convert_element_type3A_142, %mul3A_144 : vector<2048x1xf32>
    %get3A_146 = arith.constant 0 : index
    %get3A_147 = arith.constant 0 : index
    %get3A_148 = vector.load %arg3[%get3A_146, %get3A_147] : memref<4x128xf32, #tpu.memory_space<vmem>>, vector<1x128xf32>
    %mul3A_149 = vector.broadcast %mul3A_58 : vector<2048x1xf32> to vector<2048x128xf32>
    %mul3A_150 = vector.broadcast %get3A_148 : vector<1x128xf32> to vector<2048x128xf32>
    %mul3A_151 = arith.mulf %mul3A_149, %mul3A_150 : vector<2048x128xf32>
    %get3A_152 = arith.constant 1 : index
    %get3A_153 = arith.constant 0 : index
    %get3A_154 = vector.load %arg3[%get3A_152, %get3A_153] : memref<4x128xf32, #tpu.memory_space<vmem>>, vector<1x128xf32>
    %mul3A_155 = vector.broadcast %mul3A_82 : vector<2048x1xf32> to vector<2048x128xf32>
    %mul3A_156 = vector.broadcast %get3A_154 : vector<1x128xf32> to vector<2048x128xf32>
    %mul3A_157 = arith.mulf %mul3A_155, %mul3A_156 : vector<2048x128xf32>
    %add3A_158 = arith.addf %mul3A_151, %mul3A_157 : vector<2048x128xf32>
    %get3A_159 = arith.constant 2 : index
    %get3A_160 = arith.constant 0 : index
    %get3A_161 = vector.load %arg3[%get3A_159, %get3A_160] : memref<4x128xf32, #tpu.memory_space<vmem>>, vector<1x128xf32>
    %mul3A_162 = vector.broadcast %mul3A_119 : vector<2048x1xf32> to vector<2048x128xf32>
    %mul3A_163 = vector.broadcast %get3A_161 : vector<1x128xf32> to vector<2048x128xf32>
    %mul3A_164 = arith.mulf %mul3A_162, %mul3A_163 : vector<2048x128xf32>
    %add3A_165 = arith.addf %add3A_158, %mul3A_164 : vector<2048x128xf32>
    %get3A_166 = arith.constant 3 : index
    %get3A_167 = arith.constant 0 : index
    %get3A_168 = vector.load %arg3[%get3A_166, %get3A_167] : memref<4x128xf32, #tpu.memory_space<vmem>>, vector<1x128xf32>
    %mul3A_169 = vector.broadcast %mul3A_145 : vector<2048x1xf32> to vector<2048x128xf32>
    %mul3A_170 = vector.broadcast %get3A_168 : vector<1x128xf32> to vector<2048x128xf32>
    %mul3A_171 = arith.mulf %mul3A_169, %mul3A_170 : vector<2048x128xf32>
    %add3A_172 = arith.addf %add3A_165, %mul3A_171 : vector<2048x128xf32>
    %get3A_173 = arith.constant 0 : index
    %get3A_174 = arith.constant 0 : index
    %get3A_175 = vector.load %arg4[%get3A_173, %get3A_174] : memref<1x128xf32, #tpu.memory_space<vmem>>, vector<1x128xf32>
    %add3A_176 = vector.broadcast %get3A_175 : vector<1x128xf32> to vector<2048x128xf32>
    %add3A_177 = arith.addf %add3A_172, %add3A_176 : vector<2048x128xf32>
    %max3A = arith.constant 0.000000e+00 : f32
    %max3A_178 = vector.broadcast %max3A : f32 to vector<2048x128xf32>
    %max3A_179 = arith.maximumf %add3A_177, %max3A_178 : vector<2048x128xf32>
    %get3A_180 = arith.constant 0 : index
    %get3A_181 = arith.constant 0 : index
    %get3A_182 = vector.load %arg5[%get3A_180, %get3A_181] : memref<128x128xf32, #tpu.memory_space<vmem>>, vector<128x128xf32>
    %dot_general3A = arith.constant dense<0.000000e+00> : vector<2048x128xf32>
    %dot_general3A_183 = tpu.matmul %max3A_179, %get3A_182, %dot_general3A {dimension_numbers = #tpu.dot_dimension_numbers<[1], [0], [0], [1], [0, 0, 1, 1], [], []>, transpose_lhs_hint = false} : vector<2048x128xf32>, vector<128x128xf32>, vector<2048x128xf32> -> vector<2048x128xf32>
    %get3A_184 = arith.constant 0 : index
    %get3A_185 = arith.constant 0 : index
    %get3A_186 = vector.load %arg6[%get3A_184, %get3A_185] : memref<1x128xf32, #tpu.memory_space<vmem>>, vector<1x128xf32>
    %add3A_187 = vector.broadcast %get3A_186 : vector<1x128xf32> to vector<2048x128xf32>
    %add3A_188 = arith.addf %dot_general3A_183, %add3A_187 : vector<2048x128xf32>
    %swap3A = arith.constant 0 : index
    %swap3A_189 = arith.constant 0 : index
    %swap3A_190 = vector.load %arg13[%swap3A, %swap3A_189] : memref<2048x128xf32, #tpu.memory_space<vmem>>, vector<2048x128xf32>
    tpu.vector_store %arg13[%swap3A, %swap3A_189], %add3A_188 {strides = array<i32>} : memref<2048x128xf32, #tpu.memory_space<vmem>>, vector<2048x128xf32>,
    %get3A_191 = arith.constant 0 : index
    %get3A_192 = arith.constant 0 : index
    %get3A_193 = vector.load %arg7[%get3A_191, %get3A_192] : memref<2x128xf32, #tpu.memory_space<vmem>>, vector<1x128xf32>
    %mul3A_194 = vector.broadcast %mul3A_58 : vector<2048x1xf32> to vector<2048x128xf32>
    %mul3A_195 = vector.broadcast %get3A_193 : vector<1x128xf32> to vector<2048x128xf32>
    %mul3A_196 = arith.mulf %mul3A_194, %mul3A_195 : vector<2048x128xf32>
    %get3A_197 = arith.constant 1 : index
    %get3A_198 = arith.constant 0 : index
    %get3A_199 = vector.load %arg7[%get3A_197, %get3A_198] : memref<2x128xf32, #tpu.memory_space<vmem>>, vector<1x128xf32>
    %mul3A_200 = vector.broadcast %mul3A_82 : vector<2048x1xf32> to vector<2048x128xf32>
    %mul3A_201 = vector.broadcast %get3A_199 : vector<1x128xf32> to vector<2048x128xf32>
    %mul3A_202 = arith.mulf %mul3A_200, %mul3A_201 : vector<2048x128xf32>
    %add3A_203 = arith.addf %mul3A_196, %mul3A_202 : vector<2048x128xf32>
    %get3A_204 = arith.constant 0 : index
    %get3A_205 = arith.constant 0 : index
    %get3A_206 = vector.load %arg8[%get3A_204, %get3A_205] : memref<1x128xf32, #tpu.memory_space<vmem>>, vector<1x128xf32>
    %add3A_207 = vector.broadcast %get3A_206 : vector<1x128xf32> to vector<2048x128xf32>
    %add3A_208 = arith.addf %add3A_203, %add3A_207 : vector<2048x128xf32>
    %max3A_209 = arith.constant 0.000000e+00 : f32
    %max3A_210 = vector.broadcast %max3A_209 : f32 to vector<2048x128xf32>
    %max3A_211 = arith.maximumf %add3A_208, %max3A_210 : vector<2048x128xf32>
    %get3A_212 = arith.constant 0 : index
    %get3A_213 = arith.constant 0 : index
    %get3A_214 = vector.load %arg9[%get3A_212, %get3A_213] : memref<1x128xf32, #tpu.memory_space<vmem>>, vector<1x128xf32>
    %mul3A_215 = vector.broadcast %get3A_214 : vector<1x128xf32> to vector<2048x128xf32>
    %mul3A_216 = arith.mulf %max3A_211, %mul3A_215 : vector<2048x128xf32>
    %reduce_sum3A = arith.constant dense<0.000000e+00> : vector<2048xf32>
    %reduce_sum3A_217 = vector.multi_reduction <add>, %mul3A_216, %reduce_sum3A [1] : vector<2048x128xf32> to vector<2048xf32>
    %broadcast_in_dim3A = vector.shape_cast %reduce_sum3A_217 : vector<2048xf32> to vector<2048x1xf32>
    %get3A_218 = arith.constant 0 : index
    %get3A_219 = arith.constant 0 : index
    %get3A_220 = vector.load %arg10[%get3A_218, %get3A_219] : memref<1x1xf32, #tpu.memory_space<vmem>>, vector<1x1xf32>
    %get3A_221 = vector.extract %get3A_220[0, 0] : f32 from vector<1x1xf32>
    %add3A_222 = vector.broadcast %get3A_221 : f32 to vector<2048x1xf32>
    %add3A_223 = arith.addf %broadcast_in_dim3A, %add3A_222 : vector<2048x1xf32>
    %max3A_224 = arith.constant 0.000000e+00 : f32
    %max3A_225 = vector.broadcast %max3A_224 : f32 to vector<2048x1xf32>
    %max3A_226 = arith.maximumf %add3A_223, %max3A_225 : vector<2048x1xf32>
    %abs3A = math.absf %add3A_223 : vector<2048x1xf32>
    %neg3A = arith.constant 0.000000e+00 : f32
    %neg3A_227 = vector.broadcast %neg3A : f32 to vector<2048x1xf32>
    %neg3A_228 = arith.subf %neg3A_227, %abs3A : vector<2048x1xf32>
    %exp3A = math.exp %neg3A_228 : vector<2048x1xf32>
    %log1p3A = math.log1p %exp3A : vector<2048x1xf32>
    %add3A_229 = arith.addf %max3A_226, %log1p3A : vector<2048x1xf32>
    %get3A_230 = arith.constant 0 : index
    %get3A_231 = arith.constant 0 : index
    %get3A_232 = vector.load %arg2[%get3A_230, %get3A_231] : memref<2048x1xf32, #tpu.memory_space<vmem>>, vector<2048x1xf32>
    %add3A_233 = arith.constant 9.99999997E-7 : f32
    %add3A_234 = vector.broadcast %add3A_233 : f32 to vector<2048x1xf32>
    %add3A_235 = arith.addf %add3A_229, %add3A_234 : vector<2048x1xf32>
    %div3A_236 = arith.divf %get3A_232, %add3A_235 : vector<2048x1xf32>
    %jit3A_237 = arith.constant 0.000000e+00 : f32
    %jit3A_238 = arith.constant 1.000000e+00 : f32
    %max3A_239 = vector.broadcast %jit3A_237 : f32 to vector<2048x1xf32>
    %max3A_240 = arith.maximumf %max3A_239, %div3A_236 : vector<2048x1xf32>
    %min3A = vector.broadcast %jit3A_238 : f32 to vector<2048x1xf32>
    %min3A_241 = arith.minimumf %min3A, %max3A_240 : vector<2048x1xf32>
    %mul3A_242 = arith.constant 3.100000e+01 : f32
    %mul3A_243 = vector.broadcast %mul3A_242 : f32 to vector<2048x1xf32>
    %mul3A_244 = arith.mulf %min3A_241, %mul3A_243 : vector<2048x1xf32>
    %floor3A = math.floor %mul3A_244 : vector<2048x1xf32>
    %jit3A_245 = arith.constant 0.000000e+00 : f32
    %jit3A_246 = arith.constant 3.000000e+01 : f32
    %max3A_247 = vector.broadcast %jit3A_245 : f32 to vector<2048x1xf32>
    %max3A_248 = arith.maximumf %max3A_247, %floor3A : vector<2048x1xf32>
    %min3A_249 = vector.broadcast %jit3A_246 : f32 to vector<2048x1xf32>
    %min3A_250 = arith.minimumf %min3A_249, %max3A_248 : vector<2048x1xf32>
    %convert_element_type3A_251 = arith.fptosi %min3A_250 : vector<2048x1xf32> to vector<2048x1xi32>
    %iota3A_252 = tpu.iota {dimensions = array<i32: 1>} : vector<2048x32xi32>
    %eq3A_253 = vector.broadcast %convert_element_type3A_251 : vector<2048x1xi32> to vector<2048x32xi32>
    %eq3A_254 = arith.cmpi eq, %eq3A_253, %iota3A_252 : vector<2048x32xi32>
    %convert_element_type3A_255 = arith.extui %eq3A_254 : vector<2048x32xi1> to vector<2048x32xi32>
    %convert_element_type3A_256 = arith.sitofp %convert_element_type3A_255 : vector<2048x32xi32> to vector<2048x32xf32>
    %get3A_257 = arith.constant 0 : index
    %get3A_258 = arith.constant 0 : index
    %get3A_259 = vector.load %arg11[%get3A_257, %get3A_258] : memref<1x32xf32, #tpu.memory_space<vmem>>, vector<1x32xf32>
    %mul3A_260 = vector.broadcast %get3A_259 : vector<1x32xf32> to vector<2048x32xf32>
    %mul3A_261 = arith.mulf %convert_element_type3A_256, %mul3A_260 : vector<2048x32xf32>
    %reduce_sum3A_262 = arith.constant dense<0.000000e+00> : vector<2048xf32>
    %reduce_sum3A_263 = vector.multi_reduction <add>, %mul3A_261, %reduce_sum3A_262 [1] : vector<2048x32xf32> to vector<2048xf32>
    %broadcast_in_dim3A_264 = vector.shape_cast %reduce_sum3A_263 : vector<2048xf32> to vector<2048x1xf32>
    %get3A_265 = arith.constant 0 : index
    %get3A_266 = arith.constant 0 : index
    %get3A_267 = vector.load %arg12[%get3A_265, %get3A_266] : memref<1x32xf32, #tpu.memory_space<vmem>>, vector<1x32xf32>
    %mul3A_268 = vector.broadcast %get3A_267 : vector<1x32xf32> to vector<2048x32xf32>
    %mul3A_269 = arith.mulf %convert_element_type3A_256, %mul3A_268 : vector<2048x32xf32>
    %reduce_sum3A_270 = arith.constant dense<0.000000e+00> : vector<2048xf32>
    %reduce_sum3A_271 = vector.multi_reduction <add>, %mul3A_269, %reduce_sum3A_270 [1] : vector<2048x32xf32> to vector<2048xf32>
    %broadcast_in_dim3A_272 = vector.shape_cast %reduce_sum3A_271 : vector<2048xf32> to vector<2048x1xf32>
    %mul3A_273 = arith.constant 0.0322580636 : f32
    %mul3A_274 = vector.broadcast %mul3A_273 : f32 to vector<2048x1xf32>
    %mul3A_275 = arith.mulf %min3A_250, %mul3A_274 : vector<2048x1xf32>
    %add3A_276 = arith.constant 1.000000e+00 : f32
    %add3A_277 = vector.broadcast %add3A_276 : f32 to vector<2048x1xf32>
    %add3A_278 = arith.addf %min3A_250, %add3A_277 : vector<2048x1xf32>
    %mul3A_279 = arith.constant 0.0322580636 : f32
    %mul3A_280 = vector.broadcast %mul3A_279 : f32 to vector<2048x1xf32>
    %mul3A_281 = arith.mulf %add3A_278, %mul3A_280 : vector<2048x1xf32>
    %sub3A_282 = arith.subf %min3A_241, %mul3A_275 : vector<2048x1xf32>
    %sub3A_283 = arith.subf %mul3A_281, %mul3A_275 : vector<2048x1xf32>
    %add3A_284 = arith.constant 9.99999993E-9 : f32
    %add3A_285 = vector.broadcast %add3A_284 : f32 to vector<2048x1xf32>
    %add3A_286 = arith.addf %sub3A_283, %add3A_285 : vector<2048x1xf32>
    %div3A_287 = arith.divf %sub3A_282, %add3A_286 : vector<2048x1xf32>
    %sub3A_288 = arith.constant 1.000000e+00 : f32
    %sub3A_289 = vector.broadcast %sub3A_288 : f32 to vector<2048x1xf32>
    %sub3A_290 = arith.subf %sub3A_289, %div3A_287 : vector<2048x1xf32>
    %mul3A_291 = arith.mulf %sub3A_290, %broadcast_in_dim3A_264 : vector<2048x1xf32>
    %mul3A_292 = arith.mulf %div3A_287, %broadcast_in_dim3A_272 : vector<2048x1xf32>
    %add3A_293 = arith.addf %mul3A_291, %mul3A_292 : vector<2048x1xf32>
    %swap3A_294 = arith.constant 0 : index
    %swap3A_295 = arith.constant 0 : index
    %swap3A_296 = vector.load %arg14[%swap3A_294, %swap3A_295] : memref<2048x1xf32, #tpu.memory_space<vmem>>, vector<2048x1xf32>
    tpu.vector_store %arg14[%swap3A_294, %swap3A_295], %add3A_293 {strides = array<i32>} : memref<2048x1xf32, #tpu.memory_space<vmem>>, vector<2048x1xf32>,
    %eq3A_297 = arith.constant 0 : i32
    %eq3A_298 = arith.cmpi eq, %arg0, %eq3A_297 : i32
    %convert_element_type3A_299 = arith.extui %eq3A_298 : i1 to i32
    %cond3A = arith.constant 0 : i32
    %cond3A_300 = arith.cmpi ne, %convert_element_type3A_299, %cond3A : i32
    scf.if %cond3A_300 {
      %broadcast_in_dim3A_326 = arith.constant 0.000000e+00 : f32
      %broadcast_in_dim3A_327 = vector.broadcast %broadcast_in_dim3A_326 : f32 to vector<1x1xf32>
      %swap3A_328 = arith.constant 0 : index
      %swap3A_329 = arith.constant 0 : index
      %swap3A_330 = vector.load %arg15[%swap3A_328, %swap3A_329] : memref<1x1xf32, #tpu.memory_space<vmem>>, vector<1x1xf32>
      tpu.vector_store %arg15[%swap3A_328, %swap3A_329], %broadcast_in_dim3A_327 {strides = array<i32>} : memref<1x1xf32, #tpu.memory_space<vmem>>, vector<1x1xf32>,
      %broadcast_in_dim3A_331 = arith.constant 0.000000e+00 : f32
      %broadcast_in_dim3A_332 = vector.broadcast %broadcast_in_dim3A_331 : f32 to vector<1x128xf32>
      %swap3A_333 = arith.constant 0 : index
      %swap3A_334 = arith.constant 0 : index
      %swap3A_335 = vector.load %arg16[%swap3A_333, %swap3A_334] : memref<1x128xf32, #tpu.memory_space<vmem>>, vector<1x128xf32>
      tpu.vector_store %arg16[%swap3A_333, %swap3A_334], %broadcast_in_dim3A_332 {strides = array<i32>} : memref<1x128xf32, #tpu.memory_space<vmem>>, vector<1x128xf32>,
    } else {
    }
    %get3A_301 = arith.constant 0 : index
    %get3A_302 = arith.constant 0 : index
    %get3A_303 = vector.load %arg15[%get3A_301, %get3A_302] : memref<1x1xf32, #tpu.memory_space<vmem>>, vector<1x1xf32>
    %abs3A_304 = math.absf %add3A_293 : vector<2048x1xf32>
    %reduce_sum3A_305 = vector.shape_cast %abs3A_304 : vector<2048x1xf32> to vector<1x2048x1xf32>
    %reduce_sum3A_306 = arith.constant dense<0.000000e+00> : vector<1xf32>
    %reduce_sum3A_307 = vector.multi_reduction <add>, %reduce_sum3A_305, %reduce_sum3A_306 [1, 2] : vector<1x2048x1xf32> to vector<1xf32>
    %reduce_sum3A_308 = vector.shape_cast %reduce_sum3A_307 : vector<1xf32> to vector<1x1x1xf32>
    %reduce_sum3A_309 = vector.extract %reduce_sum3A_308[0, 0, 0] : f32 from vector<1x1x1xf32>
    %add3A_310 = vector.broadcast %reduce_sum3A_309 : f32 to vector<1x1xf32>
    %add3A_311 = arith.addf %get3A_303, %add3A_310 : vector<1x1xf32>
    %swap3A_312 = arith.constant 0 : index
    %swap3A_313 = arith.constant 0 : index
    %swap3A_314 = vector.load %arg15[%swap3A_312, %swap3A_313] : memref<1x1xf32, #tpu.memory_space<vmem>>, vector<1x1xf32>
    tpu.vector_store %arg15[%swap3A_312, %swap3A_313], %add3A_311 {strides = array<i32>} : memref<1x1xf32, #tpu.memory_space<vmem>>, vector<1x1xf32>,
    %get3A_315 = arith.constant 0 : index
    %get3A_316 = arith.constant 0 : index
    %get3A_317 = vector.load %arg16[%get3A_315, %get3A_316] : memref<1x128xf32, #tpu.memory_space<vmem>>, vector<1x128xf32>
    %abs3A_318 = math.absf %add3A_188 : vector<2048x128xf32>
    %reduce_sum3A_319 = arith.constant dense<0.000000e+00> : vector<128xf32>
    %reduce_sum3A_320 = vector.multi_reduction <add>, %abs3A_318, %reduce_sum3A_319 [0] : vector<2048x128xf32> to vector<128xf32>
    %broadcast_in_dim3A_321 = vector.shape_cast %reduce_sum3A_320 : vector<128xf32> to vector<1x128xf32>
    %add3A_322 = arith.addf %get3A_317, %broadcast_in_dim3A_321 : vector<1x128xf32>
    %swap3A_323 = arith.constant 0 : index
    %swap3A_324 = arith.constant 0 : index
    %swap3A_325 = vector.load %arg16[%swap3A_323, %swap3A_324] : memref<1x128xf32, #tpu.memory_space<vmem>>, vector<1x128xf32>
    tpu.vector_store %arg16[%swap3A_323, %swap3A_324], %add3A_322 {strides = array<i32>} : memref<1x128xf32, #tpu.memory_space<vmem>>, vector<1x128xf32>,
    return
  }
  func.func @transform_0(%arg0: i32) -> (i32, i32) {
    %c0_i32 = arith.constant 0 : i32
    %c0_i32_0 = arith.constant 0 : i32
    return %arg0, %c0_i32 : i32, i32
  }
  func.func @transform_1(%arg0: i32) -> (i32, i32) {
    %c0_i32 = arith.constant 0 : i32
    %c0_i32_0 = arith.constant 0 : i32
    return %arg0, %c0_i32 : i32, i32
  }
  func.func @transform_2(%arg0: i32) -> (i32, i32) {
    %c0_i32 = arith.constant 0 : i32
    %c0_i32_0 = arith.constant 0 : i32
    %c0_i32_1 = arith.constant 0 : i32
    return %c0_i32, %c0_i32_0 : i32, i32
  }
  func.func @transform_3(%arg0: i32) -> (i32, i32) {
    %c0_i32 = arith.constant 0 : i32
    %c0_i32_0 = arith.constant 0 : i32
    %c0_i32_1 = arith.constant 0 : i32
    return %c0_i32, %c0_i32_0 : i32, i32
  }
  func.func @transform_4(%arg0: i32) -> (i32, i32) {
    %c0_i32 = arith.constant 0 : i32
    %c0_i32_0 = arith.constant 0 : i32
    %c0_i32_1 = arith.constant 0 : i32
    return %c0_i32, %c0_i32_0 : i32, i32
  }
  func.func @transform_5(%arg0: i32) -> (i32, i32) {
    %c0_i32 = arith.constant 0 : i32
    %c0_i32_0 = arith.constant 0 : i32
    %c0_i32_1 = arith.constant 0 : i32
    return %c0_i32, %c0_i32_0 : i32, i32
  }
  func.func @transform_6(%arg0: i32) -> (i32, i32) {
    %c0_i32 = arith.constant 0 : i32
    %c0_i32_0 = arith.constant 0 : i32
    %c0_i32_1 = arith.constant 0 : i32
    return %c0_i32, %c0_i32_0 : i32, i32
  }
  func.func @transform_7(%arg0: i32) -> (i32, i32) {
    %c0_i32 = arith.constant 0 : i32
    %c0_i32_0 = arith.constant 0 : i32
    %c0_i32_1 = arith.constant 0 : i32
    return %c0_i32, %c0_i32_0 : i32, i32
  }
  func.func @transform_8(%arg0: i32) -> (i32, i32) {
    %c0_i32 = arith.constant 0 : i32
    %c0_i32_0 = arith.constant 0 : i32
    %c0_i32_1 = arith.constant 0 : i32
    return %c0_i32, %c0_i32_0 : i32, i32
  }
  func.func @transform_9(%arg0: i32) -> (i32, i32) {
    %c0_i32 = arith.constant 0 : i32
    %c0_i32_0 = arith.constant 0 : i32
    %c0_i32_1 = arith.constant 0 : i32
    return %c0_i32, %c0_i32_0 : i32, i32
  }
  func.func @transform_10(%arg0: i32) -> (i32, i32) {
    %c0_i32 = arith.constant 0 : i32
    %c0_i32_0 = arith.constant 0 : i32
    %c0_i32_1 = arith.constant 0 : i32
    return %c0_i32, %c0_i32_0 : i32, i32
  }
  func.func @transform_11(%arg0: i32) -> (i32, i32) {
    %c0_i32 = arith.constant 0 : i32
    %c0_i32_0 = arith.constant 0 : i32
    %c0_i32_1 = arith.constant 0 : i32
    return %c0_i32, %c0_i32_0 : i32, i32
  }
  func.func @transform_12(%arg0: i32) -> (i32, i32) {
    %c0_i32 = arith.constant 0 : i32
    %c0_i32_0 = arith.constant 0 : i32
    return %arg0, %c0_i32 : i32, i32
  }
  func.func @transform_13(%arg0: i32) -> (i32, i32) {
    %c0_i32 = arith.constant 0 : i32
    %c0_i32_0 = arith.constant 0 : i32
    return %arg0, %c0_i32 : i32, i32
  }
  func.func @transform_14(%arg0: i32) -> (i32, i32) {
    %c0_i32 = arith.constant 0 : i32
    %c0_i32_0 = arith.constant 0 : i32
    %c0_i32_1 = arith.constant 0 : i32
    return %c0_i32, %c0_i32_0 : i32, i32
  }
  func.func @transform_15(%arg0: i32) -> (i32, i32) {
    %c0_i32 = arith.constant 0 : i32
    %c0_i32_0 = arith.constant 0 : i32
    %c0_i32_1 = arith.constant 0 : i32
    return %c0_i32, %c0_i32_0 : i32, i32
  }
}

module attributes {stable_mosaic.version = 14 : i64} {
  func.func @_agg_kernel(%arg0: i32, %arg1: memref<2048x128xf32, #tpu.memory_space<vmem>>, %arg2: memref<2048x128xf32, #tpu.memory_space<vmem>>, %arg3: memref<2048x128xf32, #tpu.memory_space<vmem>>, %arg4: memref<2048x1xf32, #tpu.memory_space<vmem>>, %arg5: memref<1x1xf32, #tpu.memory_space<vmem>>, %arg6: memref<1x128xf32, #tpu.memory_space<vmem>>, %arg7: memref<2x64x128xf32, #tpu.memory_space<vmem>>, %arg8: memref<128x256xf32, #tpu.memory_space<vmem>>, %arg9: memref<1x256xf32, #tpu.memory_space<vmem>>, %arg10: memref<256x128xf32, #tpu.memory_space<vmem>>, %arg11: memref<1x128xf32, #tpu.memory_space<vmem>>, %arg12: memref<2x64x128xf32, #tpu.memory_space<vmem>>) attributes {dimension_semantics = [#tpu.dimension_semantics<arbitrary>], iteration_bounds = array<i64: 64>, scalar_prefetch = 0 : i64, scratch_operands = 0 : i64, tpu.core_type = #tpu.core_type<tc>, window_params = [{transform_indices = @transform_0, window_bounds = array<i64: 2048, 128>}, {transform_indices = @transform_1, window_bounds = array<i64: 2048, 128>}, {transform_indices = @transform_2, window_bounds = array<i64: 2048, 128>}, {transform_indices = @transform_3, window_bounds = array<i64: 2048, 1>}, {pipeline_mode = #tpu.pipeline_mode<synchronous>, transform_indices = @transform_4, window_bounds = array<i64: 1, 1>}, {pipeline_mode = #tpu.pipeline_mode<synchronous>, transform_indices = @transform_5, window_bounds = array<i64: 1, 128>}, {transform_indices = @transform_6, window_bounds = array<i64: 2, 64, 128>}, {pipeline_mode = #tpu.pipeline_mode<synchronous>, transform_indices = @transform_7, window_bounds = array<i64: 128, 256>}, {pipeline_mode = #tpu.pipeline_mode<synchronous>, transform_indices = @transform_8, window_bounds = array<i64: 1, 256>}, {pipeline_mode = #tpu.pipeline_mode<synchronous>, transform_indices = @transform_9, window_bounds = array<i64: 256, 128>}, {pipeline_mode = #tpu.pipeline_mode<synchronous>, transform_indices = @transform_10, window_bounds = array<i64: 1, 128>}, {transform_indices = @transform_11, window_bounds = array<i64: 2, 64, 128>}]} {
    %get3A = arith.constant 0 : index
    %get3A_0 = arith.constant 0 : index
    %get3A_1 = vector.load %arg5[%get3A, %get3A_0] : memref<1x1xf32, #tpu.memory_space<vmem>>, vector<1x1xf32>
    %get3A_2 = vector.extract %get3A_1[0, 0] : f32 from vector<1x1xf32>
    %div3A = arith.constant 1.310720e+05 : f32
    %div3A_3 = arith.divf %get3A_2, %div3A : f32
    %add3A = arith.constant 9.99999997E-7 : f32
    %add3A_4 = arith.addf %div3A_3, %add3A : f32
    %div3A_5 = arith.constant 1.000000e+00 : f32
    %div3A_6 = arith.divf %div3A_5, %add3A_4 : f32
    %get3A_7 = arith.constant 0 : index
    %get3A_8 = arith.constant 0 : index
    %get3A_9 = vector.load %arg6[%get3A_7, %get3A_8] : memref<1x128xf32, #tpu.memory_space<vmem>>, vector<1x128xf32>
    %div3A_10 = arith.constant 1.310720e+05 : f32
    %div3A_11 = vector.broadcast %div3A_10 : f32 to vector<1x128xf32>
    %div3A_12 = arith.divf %get3A_9, %div3A_11 : vector<1x128xf32>
    %add3A_13 = arith.constant 9.99999997E-7 : f32
    %add3A_14 = vector.broadcast %add3A_13 : f32 to vector<1x128xf32>
    %add3A_15 = arith.addf %div3A_12, %add3A_14 : vector<1x128xf32>
    %div3A_16 = arith.constant 1.000000e+00 : f32
    %div3A_17 = vector.broadcast %div3A_16 : f32 to vector<1x128xf32>
    %div3A_18 = arith.divf %div3A_17, %add3A_15 : vector<1x128xf32>
    %get3A_19 = arith.constant 0 : index
    %get3A_20 = arith.constant 0 : index
    %get3A_21 = vector.load %arg4[%get3A_19, %get3A_20] : memref<2048x1xf32, #tpu.memory_space<vmem>>, vector<2048x1xf32>
    %mul3A = vector.broadcast %div3A_6 : f32 to vector<2048x1xf32>
    %mul3A_22 = arith.mulf %get3A_21, %mul3A : vector<2048x1xf32>
    %get3A_23 = arith.constant 0 : index
    %get3A_24 = arith.constant 0 : index
    %get3A_25 = vector.load %arg3[%get3A_23, %get3A_24] : memref<2048x128xf32, #tpu.memory_space<vmem>>, vector<2048x128xf32>
    %mul3A_26 = vector.broadcast %div3A_18 : vector<1x128xf32> to vector<2048x128xf32>
    %mul3A_27 = arith.mulf %get3A_25, %mul3A_26 : vector<2048x128xf32>
    %mul3A_28 = vector.broadcast %mul3A_22 : vector<2048x1xf32> to vector<2048x128xf32>
    %mul3A_29 = arith.mulf %mul3A_28, %mul3A_27 : vector<2048x128xf32>
    %get3A_30 = arith.constant 0 : index
    %get3A_31 = arith.constant 0 : index
    %get3A_32 = vector.load %arg1[%get3A_30, %get3A_31] : memref<2048x128xf32, #tpu.memory_space<vmem>>, vector<2048x128xf32>
    %mul3A_33 = arith.mulf %mul3A_29, %get3A_32 : vector<2048x128xf32>
    %reshape3A = vector.shape_cast %mul3A_33 : vector<2048x128xf32> to vector<64x32x128xf32>
    %reduce_sum3A = arith.constant dense<0.000000e+00> : vector<64x128xf32>
    %reduce_sum3A_34 = vector.multi_reduction <add>, %reshape3A, %reduce_sum3A [1] : vector<64x32x128xf32> to vector<64x128xf32>
    %get3A_35 = arith.constant 0 : index
    %get3A_36 = arith.constant 0 : index
    %get3A_37 = vector.load %arg2[%get3A_35, %get3A_36] : memref<2048x128xf32, #tpu.memory_space<vmem>>, vector<2048x128xf32>
    %mul3A_38 = arith.mulf %mul3A_29, %get3A_37 : vector<2048x128xf32>
    %reshape3A_39 = vector.shape_cast %mul3A_38 : vector<2048x128xf32> to vector<64x32x128xf32>
    %reduce_sum3A_40 = arith.constant dense<0.000000e+00> : vector<64x128xf32>
    %reduce_sum3A_41 = vector.multi_reduction <add>, %reshape3A_39, %reduce_sum3A_40 [1] : vector<64x32x128xf32> to vector<64x128xf32>
    %get3A_42 = arith.constant 0 : index
    %get3A_43 = arith.constant 0 : index
    %get3A_44 = arith.constant 0 : index
    %get3A_45 = vector.load %arg7[%get3A_42, %get3A_43, %get3A_44] : memref<2x64x128xf32, #tpu.memory_space<vmem>>, vector<2x64x128xf32>
    %reshape3A_46 = vector.shape_cast %get3A_45 : vector<2x64x128xf32> to vector<128x128xf32>
    %get3A_47 = arith.constant 0 : index
    %get3A_48 = arith.constant 0 : index
    %get3A_49 = vector.load %arg8[%get3A_47, %get3A_48] : memref<128x256xf32, #tpu.memory_space<vmem>>, vector<128x256xf32>
    %dot_general3A = arith.constant dense<0.000000e+00> : vector<128x256xf32>
    %dot_general3A_50 = tpu.matmul %reshape3A_46, %get3A_49, %dot_general3A {dimension_numbers = #tpu.dot_dimension_numbers<[1], [0], [0], [1], [0, 0, 1, 1], [], []>, transpose_lhs_hint = false} : vector<128x128xf32>, vector<128x256xf32>, vector<128x256xf32> -> vector<128x256xf32>
    %get3A_51 = arith.constant 0 : index
    %get3A_52 = arith.constant 0 : index
    %get3A_53 = vector.load %arg9[%get3A_51, %get3A_52] : memref<1x256xf32, #tpu.memory_space<vmem>>, vector<1x256xf32>
    %add3A_54 = vector.broadcast %get3A_53 : vector<1x256xf32> to vector<128x256xf32>
    %add3A_55 = arith.addf %dot_general3A_50, %add3A_54 : vector<128x256xf32>
    %max3A = arith.constant 0.000000e+00 : f32
    %max3A_56 = vector.broadcast %max3A : f32 to vector<128x256xf32>
    %max3A_57 = arith.maximumf %add3A_55, %max3A_56 : vector<128x256xf32>
    %get3A_58 = arith.constant 0 : index
    %get3A_59 = arith.constant 0 : index
    %get3A_60 = vector.load %arg10[%get3A_58, %get3A_59] : memref<256x128xf32, #tpu.memory_space<vmem>>, vector<256x128xf32>
    %dot_general3A_61 = arith.constant dense<0.000000e+00> : vector<128x128xf32>
    %dot_general3A_62 = tpu.matmul %max3A_57, %get3A_60, %dot_general3A_61 {dimension_numbers = #tpu.dot_dimension_numbers<[1], [0], [0], [1], [0, 0, 1, 1], [], []>, transpose_lhs_hint = false} : vector<128x256xf32>, vector<256x128xf32>, vector<128x128xf32> -> vector<128x128xf32>
    %get3A_63 = arith.constant 0 : index
    %get3A_64 = arith.constant 0 : index
    %get3A_65 = vector.load %arg11[%get3A_63, %get3A_64] : memref<1x128xf32, #tpu.memory_space<vmem>>, vector<1x128xf32>
    %add3A_66 = vector.broadcast %get3A_65 : vector<1x128xf32> to vector<128x128xf32>
    %add3A_67 = arith.addf %dot_general3A_62, %add3A_66 : vector<128x128xf32>
    %mul3A_68 = arith.constant 3.125000e-02 : f32
    %mul3A_69 = vector.broadcast %mul3A_68 : f32 to vector<64x128xf32>
    %mul3A_70 = arith.mulf %reduce_sum3A_34, %mul3A_69 : vector<64x128xf32>
    %slice3A = vector.extract_strided_slice %add3A_67 {offsets = [0, 0], sizes = [64, 128], strides = [1, 1]} : vector<128x128xf32> to vector<64x128xf32>
    %add3A_71 = arith.addf %mul3A_70, %slice3A : vector<64x128xf32>
    %swap3A = arith.constant 0 : index
    %swap3A_72 = arith.constant 0 : index
    %swap3A_73 = arith.constant 0 : index
    %swap3A_74 = vector.load %arg12[%swap3A, %swap3A_72, %swap3A_73] : memref<2x64x128xf32, #tpu.memory_space<vmem>>, vector<1x64x128xf32>
    %swap3A_75 = vector.shape_cast %swap3A_74 : vector<1x64x128xf32> to vector<64x128xf32>
    %swap3A_76 = vector.shape_cast %add3A_71 : vector<64x128xf32> to vector<1x64x128xf32>
    tpu.vector_store %arg12[%swap3A, %swap3A_72, %swap3A_73], %swap3A_76 {strides = array<i32>} : memref<2x64x128xf32, #tpu.memory_space<vmem>>, vector<1x64x128xf32>,
    %mul3A_77 = arith.constant 3.125000e-02 : f32
    %mul3A_78 = vector.broadcast %mul3A_77 : f32 to vector<64x128xf32>
    %mul3A_79 = arith.mulf %reduce_sum3A_41, %mul3A_78 : vector<64x128xf32>
    %slice3A_80 = vector.extract_strided_slice %add3A_67 {offsets = [64, 0], sizes = [64, 128], strides = [1, 1]} : vector<128x128xf32> to vector<64x128xf32>
    %add3A_81 = arith.addf %mul3A_79, %slice3A_80 : vector<64x128xf32>
    %swap3A_82 = arith.constant 1 : index
    %swap3A_83 = arith.constant 0 : index
    %swap3A_84 = arith.constant 0 : index
    %swap3A_85 = vector.load %arg12[%swap3A_82, %swap3A_83, %swap3A_84] : memref<2x64x128xf32, #tpu.memory_space<vmem>>, vector<1x64x128xf32>
    %swap3A_86 = vector.shape_cast %swap3A_85 : vector<1x64x128xf32> to vector<64x128xf32>
    %swap3A_87 = vector.shape_cast %add3A_81 : vector<64x128xf32> to vector<1x64x128xf32>
    tpu.vector_store %arg12[%swap3A_82, %swap3A_83, %swap3A_84], %swap3A_87 {strides = array<i32>} : memref<2x64x128xf32, #tpu.memory_space<vmem>>, vector<1x64x128xf32>,
    return
  }
  func.func @transform_0(%arg0: i32) -> (i32, i32) {
    %c0_i32 = arith.constant 0 : i32
    %c0_i32_0 = arith.constant 0 : i32
    return %arg0, %c0_i32 : i32, i32
  }
  func.func @transform_1(%arg0: i32) -> (i32, i32) {
    %add3A = arith.constant 64 : i32
    %add3A_0 = arith.addi %arg0, %add3A : i32
    %c0_i32 = arith.constant 0 : i32
    %c0_i32_1 = arith.constant 0 : i32
    return %add3A_0, %c0_i32 : i32, i32
  }
  func.func @transform_2(%arg0: i32) -> (i32, i32) {
    %c0_i32 = arith.constant 0 : i32
    %c0_i32_0 = arith.constant 0 : i32
    return %arg0, %c0_i32 : i32, i32
  }
  func.func @transform_3(%arg0: i32) -> (i32, i32) {
    %c0_i32 = arith.constant 0 : i32
    %c0_i32_0 = arith.constant 0 : i32
    return %arg0, %c0_i32 : i32, i32
  }
  func.func @transform_4(%arg0: i32) -> (i32, i32) {
    %c0_i32 = arith.constant 0 : i32
    %c0_i32_0 = arith.constant 0 : i32
    %c0_i32_1 = arith.constant 0 : i32
    return %c0_i32, %c0_i32_0 : i32, i32
  }
  func.func @transform_5(%arg0: i32) -> (i32, i32) {
    %c0_i32 = arith.constant 0 : i32
    %c0_i32_0 = arith.constant 0 : i32
    %c0_i32_1 = arith.constant 0 : i32
    return %c0_i32, %c0_i32_0 : i32, i32
  }
  func.func @transform_6(%arg0: i32) -> (i32, i32, i32) {
    %c0_i32 = arith.constant 0 : i32
    %c0_i32_0 = arith.constant 0 : i32
    %c0_i32_1 = arith.constant 0 : i32
    return %c0_i32, %arg0, %c0_i32_0 : i32, i32, i32
  }
  func.func @transform_7(%arg0: i32) -> (i32, i32) {
    %c0_i32 = arith.constant 0 : i32
    %c0_i32_0 = arith.constant 0 : i32
    %c0_i32_1 = arith.constant 0 : i32
    return %c0_i32, %c0_i32_0 : i32, i32
  }
  func.func @transform_8(%arg0: i32) -> (i32, i32) {
    %c0_i32 = arith.constant 0 : i32
    %c0_i32_0 = arith.constant 0 : i32
    %c0_i32_1 = arith.constant 0 : i32
    return %c0_i32, %c0_i32_0 : i32, i32
  }
  func.func @transform_9(%arg0: i32) -> (i32, i32) {
    %c0_i32 = arith.constant 0 : i32
    %c0_i32_0 = arith.constant 0 : i32
    %c0_i32_1 = arith.constant 0 : i32
    return %c0_i32, %c0_i32_0 : i32, i32
  }
  func.func @transform_10(%arg0: i32) -> (i32, i32) {
    %c0_i32 = arith.constant 0 : i32
    %c0_i32_0 = arith.constant 0 : i32
    %c0_i32_1 = arith.constant 0 : i32
    return %c0_i32, %c0_i32_0 : i32, i32
  }
  func.func @transform_11(%arg0: i32) -> (i32, i32, i32) {
    %c0_i32 = arith.constant 0 : i32
    %c0_i32_0 = arith.constant 0 : i32
    %c0_i32_1 = arith.constant 0 : i32
    return %c0_i32, %arg0, %c0_i32_0 : i32, i32, i32
  }
}

</mosaic_0001>

<sc_bundles>
// kernel: kernel.6.cloned.1.call-start
scs
__scs_entry_jumppad:
0x0: {  	(pc) =	sbr.rel $0x88, $3  }
0x1: {  	(tag) =	ssettag $0x0;
	lr =	simm.s32 $0x1  }
0x2: {  	[smem:$0x3F93] =	sst lr;
	_ =	strace $0xD0000000  }
0x3: {  	_ = 	snop  }
0x4: {  	_ = 	snop  }
0x5: {  	_ = 	snop  }
0x6: {  	_ = 	snop  }
0x7: {  	_ = 	snop  }
__scs_overlays_trampoline_lowered:
0x8: {  	[smem:$0x3FA2] =	sst s0  }
0x9: {  	[smem:$0x3FA3] =	sst s1  }
0xa: {  	[smem:$0x3FA4] =	sst s2  }
0xb: {  	[smem:$0x3FA5] =	sst s3  }
0xc: {  	[smem:$0x3FA6] =	sst s4  }
0xd: {  	[smem:$0x3FA7] =	sst s5  }
0xe: {  	[smem:$0x3FA8] =	sst s6  }
0xf: {  	[smem:$0x3FA9] =	sst s7  }
0x10: {  	[smem:$0x3FAA] =	sst s8  }
0x11: {  	[smem:$0x3FAB] =	sst s9;
	s0 =	simm.s32 @!p0 $0x0  }
0x12: {  	s1 =	sld [smem:$0x3F91];
	s0 =	simm.s32 @p0 $0x1  }
0x13: {  	[smem:$0x3FAC] =	sst s0;
	s0 =	simm.s32 @!p1 $0x0  }
0x14: {  	s2 =	sld [smem:$0x3F90];
	s0 =	simm.s32 @p1 $0x1  }
0x15: {  	[smem:$0x3FAD] =	sst s0;
	s0 =	simm.s32 @!p2 $0x0  }
0x16: {  	s3 =	sld [smem:$0x3FDB];
	s0 =	simm.s32 @p2 $0x1  }
0x17: {  	s4 =	simm.s32 $0x1BF5;
	[smem:$0x3FAF] =	sst s0  }
0x18: {  	s0 =	sld [smem:$0x3F92];
	_ =	swait.ge [sflag:s4], $0x0  }
0x19: {  	s7 =	sld [smem:$0x3F93]  }
0x1a: {  	s8 =	sadd.s32 $0xFFFFE003, lr  }
0x1b: {  	s9 =	sadd.s32 $0xFFFFFEF7, lr;
	s5 =	simm.s32 $0xFFFFFFFF;
	p2 =	slt.u32 s8, $0xFFFFF086  }
0x1c: {  	p1 =	slt.u32 s9, $0xF7A;
	s5 =	simm.s32 @!p2 $0x0  }
0x1d: {  	s5 =	simm.s32 @p1 $0x1;
	p0 =	seq.s32 s7, s2  }
0x1e: {  	s7 =	smul.u32 @!p0 $0xF7A, s2;
	p2 =	seq.s32 @!p0 s5, $0x0  }
0x1f: {  	s9 =	smul.u32 $0xF7A, s1;
	s8 =	simm.s32 @!p0 $0x1BF5;
	p2 =	por !p2, p0  }
0x20: {  	[sflag:s8] =	ssyncset.s32 @!p0 $0xFFFFF086;
	s6 =	sadd.s32 @!p0 s3, s7;
	s7 =	simm.s32 @!p0 $0x108  }
0x21: {  	s3 =	sadd.s32 s3, s9;
	s6 =	sadd.s32 @!p0 $0x88, s6;
	s7 =	simm.s32 @p2 $0x1082  }
0x22: {  	[simem:s7], [sflag:s8] =	dma.local @!p0 [hbm:s6], $0xF7A  }
0x23: {  	s9 =	sor.u32 $0xD0000000, s2;
	s6 =	simm.s32 $0x108;
	_ =	swait.ge @!p0 [sflag:s8], $0x0  }
0x24: {  	s3 =	sadd.s32 $0x88, s3;
	s6 =	simm.s32 @!p1 $0x1082;
	[sflag:s4] =	ssyncset.s32 $0xFFFFF086  }
0x25: {  	[simem:s6], [sflag:s4] =	dma.local [hbm:s3], $0xF7A  }
0x26: {  	[smem:$0x3F93] =	sst s1;
	(tag) =	ssettag s2;
	_ =	strace s9  }
0x27: {  	s1 =	sld [smem:$0x3FA3]  }
0x28: {  	s2 =	sld [smem:$0x3FA4]  }
0x29: {  	s4 =	sld [smem:$0x3FA6]  }
0x2a: {  	p0 =	seq.s32 s5, $0x0;
	s5 =	sld [smem:$0x3FA7]  }
0x2b: {  	s6 =	sld [smem:$0x3FA8]  }
0x2c: {  	s7 =	sld [smem:$0x3FA9]  }
0x2d: {  	s3 =	simm.s32 $0x108;
	s8 =	sld [smem:$0x3FAA]  }
0x2e: {  	s3 =	simm.s32 @!p0 $0x1082;
	s9 =	sld [smem:$0x3FAB]  }
0x2f: {  	lr =	sadd.s32 s0, s3;
	s0 =	sld [smem:$0x3FA2]  }
0x30: {  	s3 =	sld [smem:$0x3FA5]  }
0x31: {  	[smem:$0x3FAE] =	sst s10  }
0x32: {  	s10 =	sld [smem:$0x3FAC];
	_ =	sdelay $0x3  }
0x33: {  	p0 =	seq.s32 s10, $0x1;
	s10 =	sld [smem:$0x3FAE];
	_ =	sdelay $0x3  }
0x34: {  	[smem:$0x3FAE] =	sst s10  }
0x35: {  	s10 =	sld [smem:$0x3FAD];
	_ =	sdelay $0x3  }
0x36: {  	p1 =	seq.s32 s10, $0x1;
	s10 =	sld [smem:$0x3FAE];
	_ =	sdelay $0x3  }
0x37: {  	[smem:$0x3FAE] =	sst s10  }
0x38: {  	s10 =	sld [smem:$0x3FAF]  }
0x39: {  	_ = 	snop;
	(pc) =	sbr.ind lr, $3  }
0x3a: {  	_ = 	snop  }
0x3b: {  	_ = 	snop  }
0x3c: {  	p2 =	seq.s32 s10, $0x1;
	s10 =	sld [smem:$0x3FAE]  }
0x3d: {  	_ =	shalt  }
0x3e: {  	_ =	shalt  }
0x3f: {  	_ =	shalt  }
0x40: {  	_ =	shalt  }
0x41: {  	_ =	shalt  }
0x42: {  	_ =	shalt  }
0x43: {  	_ =	shalt  }
0x44: {  	_ =	shalt  }
0x45: {  	_ =	shalt  }
0x46: {  	_ =	shalt  }
0x47: {  	_ =	shalt  }
0x48: {  	_ =	shalt  }
0x49: {  	_ =	shalt  }
0x4a: {  	_ =	shalt  }
0x4b: {  	_ =	shalt  }
0x4c: {  	_ =	shalt  }
0x4d: {  	_ =	shalt  }
0x4e: {  	_ =	shalt  }
0x4f: {  	_ =	shalt  }
0x50: {  	_ =	shalt  }
0x51: {  	_ =	shalt  }
0x52: {  	_ =	shalt  }
0x53: {  	_ =	shalt  }
0x54: {  	_ =	shalt  }
0x55: {  	_ =	shalt  }
0x56: {  	_ =	shalt  }
0x57: {  	_ =	shalt  }
0x58: {  	_ =	shalt  }
0x59: {  	_ =	shalt  }
0x5a: {  	_ =	shalt  }
0x5b: {  	_ =	shalt  }
0x5c: {  	_ =	shalt  }
0x5d: {  	_ =	shalt  }
0x5e: {  	_ =	shalt  }
0x5f: {  	_ =	shalt  }
0x60: {  	_ =	shalt  }
0x61: {  	_ =	shalt  }
0x62: {  	_ =	shalt  }
0x63: {  	_ =	shalt  }
0x64: {  	_ =	shalt  }
0x65: {  	_ =	shalt  }
0x66: {  	_ =	shalt  }
0x67: {  	_ =	shalt  }
0x68: {  	_ =	shalt  }
0x69: {  	_ =	shalt  }
0x6a: {  	_ =	shalt  }
0x6b: {  	_ =	shalt  }
0x6c: {  	_ =	shalt  }
0x6d: {  	_ =	shalt  }
0x6e: {  	_ =	shalt  }
0x6f: {  	_ =	shalt  }
0x70: {  	_ =	shalt  }
0x71: {  	_ =	shalt  }
0x72: {  	_ =	shalt  }
0x73: {  	_ =	shalt  }
0x74: {  	_ =	shalt  }
0x75: {  	_ =	shalt  }
0x76: {  	_ =	shalt  }
0x77: {  	_ =	shalt  }
0x78: {  	_ =	shalt  }
0x79: {  	_ =	shalt  }
0x7a: {  	_ =	shalt  }
0x7b: {  	_ =	shalt  }
0x7c: {  	_ =	shalt  }
0x7d: {  	_ =	shalt  }
0x7e: {  	_ =	shalt  }
0x7f: {  	_ =	shalt  }
0x80: {  	_ =	shalt  }
0x81: {  	_ =	shalt  }
0x82: {  	_ =	shalt  }
0x83: {  	_ =	shalt  }
0x84: {  	_ =	shalt  }
0x85: {  	_ =	shalt  }
0x86: {  	_ =	shalt  }
0x87: {  	_ =	shalt  }
.Lfunc_end0:
.L_simem_size_0:
called_computation_lowered:
.L_overlay_start_0:
0x88: {  	s2 =	sld [smem:$0x3FD9]  }
0x89: {  	s3 =	sld [smem:$0x3FFE];
	_ =	sdelay $0x1  }
0x8a: {  	s1 =	srdreg.scid  }
0x8b: {  	s0 =	sand.u32 $0x1, s1  }
0x8c: {  	s17 =	sshll.u32 s0, $0xA;
	s2 =	sadd.s32 s3, s2  }
0x8d: {  	s2 =	sadd.s32 s2, s17  }
0x8e: {  	[smem:$0x3FBA] =	sst s2  }
0x8f: {  	_ = 	snop  }
0x90: {  	s2 =	sld [smem:$0x3FC9];
	(tm) =	ssettm $0x1  }
0x91: {  	s18 =	sld [smem:$0x3FFB];
	_ =	sdelay $0x3  }
0x92: {  	_ =	strace s18  }
0x93: {  	s3 =	sld [smem:$0x3FFC];
	_ =	sdelay $0x3  }
0x94: {  	_ =	strace s3  }
0x95: {  	s3 =	sld [smem:$0x3FFD];
	_ =	sdelay $0x3  }
0x96: {  	_ =	strace s3  }
0x97: {  	_ =	strace $0x8FFFFFFF  }
0x98: {  	s19 =	sld [smem:$0x3FDB];
	_ =	sdelay $0x1  }
0x99: {  	s4 =	simm.s32 $_scs_section_size  }
0x9a: {  	s5 =	simm.s32 $_size__tile_overlayer_lowered;
	s6 =	simm.s32 $_tile_overlayer_lowered  }
0x9b: {  	s22 =	simm.s32 $0x1BFF;
	s21 =	sshll.u32 s6, $0x1;
	s3 =	sadd.s32 s4, s19  }
0x9c: {  	s7 =	simm.s32 $0x0;
	s20 =	sshll.u32 s5, $0x1;
	s5 =	sadd.s32 s21, s3  }
0x9d: {  	[timem:s7], [sflag:s22] =	dma.local [hbm:s5], s20  }
0x9e: {  	_ =	swait.ge [sflag:s22], s20  }
0x9f: {  	s4 =	ssub.s32 $0x0, s20;
	[sflag:s22] =	ssyncset.done $0x0  }
0xa0: {  	[sflag:s22] =	ssyncadd.s32 s4;
	_ =	sdelay $0x1  }
0xa1: {  	s23 =	simm.s32 $0x1B8B  }
0xa2: {  	_ =	swait.ge [sflag:s23], $0x1  }
0xa3: {  	[sflag:s23] =	ssyncset.done $0x0  }
0xa4: {  	s25 =	simm.s32 $0x1B8E;
	s24 =	sld [smem:$0x3FFE];
	[sflag:s23] =	ssyncadd.s32 $0xFFFFFFFF  }
0xa5: {  	s26 =	simm.s32 $execute0_lowered;
	[smem:$0x3FD2] =	sst s25  }
0xa6: {  	s5 =	sshll.u32 s26, $0x1;
	_ =	strace $0x80000046;
	[dreg:$0x1] =	wrdreg $0xFFFFFFFF  }
0xa7: {  	s28 =	simm.s32 $_size_execute0_lowered;
	s3 =	sadd.s32 s3, s5;
	[dreg:$0x0] =	wrdreg $0x0  }
0xa8: {  	s5 =	sshll.u32 s28, $0x1;
	[dreg:$0x2] =	wrdreg s3  }
0xa9: {  	[dreg:$0x3] =	wrdreg s5  }
0xaa: {  	[dreg:$0x4] =	wrdreg $0xC0  }
0xab: {  	_ =	task [dreg:s7], $0x5FFFF  }
0xac: {  	[dreg:$0x1] =	wrdreg $0xFFFFFFFF  }
0xad: {  	[dreg:$0x0] =	wrdreg $0x60  }
0xae: {  	[dreg:$0x2] =	wrdreg s2  }
0xaf: {  	[dreg:$0x3] =	wrdreg s24  }
0xb0: {  	[dreg:$0x4] =	wrdreg $0x9  }
0xb1: {  	_ =	task.clear_ibuf [dreg:s7], $0x5FFFF;
	_ =	strace $0x90000046  }
0xb2: {  	s29 =	simm.s32 $0x9;
	_ =	strace $0x80000048  }
0xb3: {  	_ =	swait.ge [sflag:s29], $0x1  }
0xb4: {  	[sflag:s29] =	ssyncadd.s32 $0xFFFFFFFF  }
0xb5: {  	_ =	strace $0x90000048  }
0xb6: {  	_ =	sfence  }
0xb7: {  	s30 =	sld [smem:$0x0];
	_ =	sdelay $0x2  }
0xb8: {  	s31 =	sshll.u32 s1, $0xD;
	s1 =	sshrl.u32 s1, $0x2  }
0xb9: {  	s3 =	sand.u32 $0x4000, s31;
	s1 =	sadd.s32 s1, s30  }
0xba: {  	s0 =	sor.u32 s3, s0;
	s1 =	sshll.u32 s1, $0x11  }
0xbb: {  	s0 =	sor.u32 s1, s0  }
0xbc: {  	s0 =	sadd.s32 $0x8F2B, s0  }
0xbd: {  	[sflag:s0] =	ssyncadd.remote.s32 $0x1  }
0xbe: {  	_ =	sfence.sel $0xFFFF  }
0xbf: {  	[dreg:$0x0] =	wrdreg $0xFFFFFFFF;
	(pc) =	sbr.abs _section_cstart, $3  }
0xc0: {  	[dreg:$0x1] =	wrdreg $0xFFFFFFFF  }
0xc1: {  	_ =	task.clear_ibuf [dreg:s7], $0x2FFFF;
	_ =	strace $0x9FFFFFFF  }
0xc2: {  	(tm) =	ssettm $0x7FFFFFFF  }
0xc3: {  	_ =	shalt  }
tec
execute0_lowered:
.L_overlay_start_1:
0x0: {  	(tag) =	ssettag $0x1  }
0x1: {  	s1 =	rddreg [dreg:$0x0]  }
0x2: {  	s4 =	rddreg [dreg:$0x1]  }
0x3: {  	s0 =	rddreg [dreg:$0x2];
	s5 =	srdreg.scid  }
0x4: {  	s3 =	simm.s32 $0x0;
	s2 =	stileid.u32;
	s10 =	simm.s32 $0x0  }
0x5: {  	s5 =	sand.u32 $0x1, s5;
	[smem:$0x7FF] =	sst s3;
	s6 =	sshll.u32 s2, $0xE  }
0x6: {  	s8 =	sshll.u32 s2, $0x12;
	s7 =	sshll.u32 s5, $0xD;
	_ =	strace $0x80000047  }
0x7: {  	s31 =	ssub.s32 $0x2, s5;
	s8 =	sadd.s32 s8, s4;
	s5 =	sshll.u32 s5, $0x11  }
0x8: {  	s6 =	sor.u32 s7, s6;
	s9 =	sshrl.u32 s31, $0x1;
	s5 =	sadd.s32 s5, s8  }
0x9: {  	s8 =	simm.s32 $0x80;
	s6 =	sshrl.u32 s6, $0x3;
	s7 =	ssub.s32 s31, s9  }
0xa: {  	s5 =	sadd.s32 $0x1AA00, s5;
	s9 =	simm.s32 $0x1;
	s6 =	sadd.s32 s6, s4  }
0xb: {  	s4 =	smax.u32 s7, $0x1;
	s7 =	simm.s32 $0x2;
	s6 =	sadd.s32 $0x12A00, s6  }
.LBB2_1:
0xc: {  	s11 =	sadd.s32 $0x0, s6  }
0xd: {  	[tilespmem:s3], [sflag:$0x2] =	stream.linear.gather [hbm4b:s11+s3], $0x80, $0x38;
	[tilespmem:$0x4080] =	vst v63  }
0xe: {  	_ =	swait.ge [sflag:s7], $0x80  }
0xf: {  	[sflag:s7] =	ssyncset.done $0x0  }
0x10: {  	[sflag:s7] =	ssyncadd.s32 $0xFFFFFF80  }
0x11: {  	[tilespmem:s8], [sflag:$0x1] =	stream.indirect.gather [hbm4b:s1+s8], $0x80, s3, s8, $0xb8;
	[tilespmem:$0x4080] =	vst v63  }
0x12: {  	_ =	swait.ge [sflag:s9], $0x4000  }
0x13: {  	[sflag:s9] =	ssyncset.done $0x0  }
0x14: {  	[sflag:s9] =	ssyncadd.s32 $0xFFFFC000  }
0x15: {  	[hbm4b:s5+s3] =	stream.linear.scatter [tilespmem:s8], [sflag:$0x2], $0x4000, $0x38;
	[tilespmem:$0x4080] =	vst v63  }
0x16: {  	s12 =	simm.s32 $0x10;
	_ =	swait.ge [sflag:s7], $0x4000  }
0x17: {  	s13 =	simm.s32 $0x20;
	s11 =	sadd.s32 $0x800, s5;
	[sflag:s7] =	ssyncset.done $0x0  }
.LBB2_2:
0x18: {  	s14 =	sadd.s32 s12, s6  }
0x19: {  	[sflag:s7] =	ssyncadd.s32 $0xFFFFC000;
	s12 =	smov.u32 s13;
	s15 =	sadd.s32 $0x10, s13  }
0x1a: {  	[tilespmem:s3], [sflag:$0x2] =	stream.linear.gather [hbm4b:s14+s3], $0x80, $0x38;
	[tilespmem:$0x4080] =	vst v63  }
0x1b: {  	p0 =	sne.s32 s13, $0x3F0;
	_ =	swait.ge [sflag:s7], $0x80  }
0x1c: {  	[sflag:s7] =	ssyncset.done $0x0  }
0x1d: {  	[sflag:s7] =	ssyncadd.s32 $0xFFFFFF80  }
0x1e: {  	[tilespmem:s8], [sflag:$0x1] =	stream.indirect.gather [hbm4b:s1+s8], $0x80, s3, s8, $0xb8;
	[tilespmem:$0x4080] =	vst v63  }
0x1f: {  	_ =	swait.ge [sflag:s9], $0x4000  }
.Ltmp0:
0x20: {  	[sflag:s9] =	ssyncset.done $0x0;
	(pc) =	sbr.rel @p0 .LBB2_2-.Ltmp0, $4  }
0x21: {  	[sflag:s9] =	ssyncadd.s32 $0xFFFFC000  }
0x22: {  	[hbm4b:s11+s3] =	stream.linear.scatter [tilespmem:s8], [sflag:$0x2], $0x4000, $0x38;
	[tilespmem:$0x4080] =	vst v63  }
0x23: {  	_ =	swait.ge [sflag:s7], $0x4000  }
0x24: {  	s13 =	smov.u32 s15;
	s11 =	sadd.s32 $0x800, s11;
	[sflag:s7] =	ssyncset.done $0x0  }
0x25: {  	s12 =	sadd.s32 s12, s6;
	[sflag:s7] =	ssyncadd.s32 $0xFFFFC000  }
0x26: {  	[tilespmem:s3], [sflag:$0x2] =	stream.linear.gather [hbm4b:s12+s3], $0x80, $0x38;
	[tilespmem:$0x4080] =	vst v63  }
0x27: {  	_ =	swait.ge [sflag:s7], $0x80  }
0x28: {  	[sflag:s7] =	ssyncset.done $0x0  }
0x29: {  	[sflag:s7] =	ssyncadd.s32 $0xFFFFFF80  }
0x2a: {  	[tilespmem:s8], [sflag:$0x1] =	stream.indirect.gather [hbm4b:s1+s8], $0x80, s3, s8, $0xb8;
	[tilespmem:$0x4080] =	vst v63  }
0x2b: {  	s10 =	sadd.s32 $0x1, s10;
	_ =	swait.ge [sflag:s9], $0x4000  }
0x2c: {  	p0 =	sne.s32 s10, s4;
	[sflag:s9] =	ssyncset.done $0x0  }
.Ltmp1:
0x2d: {  	[sflag:s9] =	ssyncadd.s32 $0xFFFFC000;
	(pc) =	sbr.rel @p0 .LBB2_1-.Ltmp1, $4  }
0x2e: {  	[hbm4b:s11+s3] =	stream.linear.scatter [tilespmem:s8], [sflag:$0x2], $0x4000, $0x38;
	[tilespmem:$0x4080] =	vst v63  }
0x2f: {  	_ =	swait.ge [sflag:s7], $0x4000  }
0x30: {  	[sflag:s7] =	ssyncset.done $0x0  }
0x31: {  	[sflag:s7] =	ssyncadd.s32 $0xFFFFC000  }
0x32: {  	_ =	sfence.sel $0x180000  }
0x33: {  	[bflag:$0x0] =	sbarrier.arrive $0xFFFF  }
0x34: {  	p0 =	sne.s32 s2, $0x0;
	_ =	strace $0x90000047  }
0x35: {  	s0 =	sadd.s32 @!p0 $0x100000, s0;
	[bflag:$0x2] =	sbarrier.arrive $0xFFFF  }
0x36: {  	[sflag:s0] =	ssyncadd.tile.s32 @!p0 $0x1;
	_ =	shalt  }
.Lfunc_end2:
_tile_overlayer_lowered:
.L_overlay_start_2:
0x37: {  	(tag) =	ssettag $0x2  }
0x38: {  	s0 =	rddreg [dreg:$0x0];
	s2 =	stileid.u32  }
0x39: {  	s1 =	rddreg [dreg:$0x1];
	p0 =	sne.s32 s2, $0x0  }
0x3a: {  	s3 =	rddreg [dreg:$0x2];
	[bflag:$0x3] =	sbarrier.arrive $0xFFFF;
	s2 =	simm.s32 @!p0 $0x1C02  }
0x3b: {  	[timem:s3], [sflag:s2] =	dma.local @!p0 [hbm:s0], s1  }
0x3c: {  	s0 =	simm.s32 @!p0 $0x2  }
0x3d: {  	_ =	swait.ge @!p0 [sflag:s0], s1  }
0x3e: {  	s1 =	ssub.s32 @!p0 $0x0, s1;
	[sflag:s0] =	ssyncset.done @!p0 $0x0  }
0x3f: {  	[sflag:s0] =	ssyncadd.s32 @!p0 s1  }
0x40: {  	[bflag:$0x3] =	sbarrier.arrive $0xFFFF  }
0x41: {  	_ =	shalt  }

</sc_bundles>
